<compile_context>
chip_gen: v7x
topology: tpu7x:2x2x1
jax: 0.10.2.dev20260603
libtpu: 0.0.44.dev20260713+nightly
codegen_flags: <defaults>
</compile_context>

<pallas_src>
import functools

import jax
import jax.numpy as jnp
from jax import lax
from jax.experimental import pallas as pl
from jax.experimental.pallas import tpu as pltpu
from jax.experimental.pallas import tpu_sc as plsc

N = 10000
E = 320000
DF = 128
NSUB = 16
L = 16
SLICE = 640
NPAD = NSUB * SLICE
BUFE = 10240
COLS = 39


def _worker_geometry(cid, sid):
    col0 = sid * COLS + cid * 20
    n16 = jnp.where(cid == 0, 640, jnp.where(sid == NSUB - 1, 640, 608))
    return col0 * 512, n16


def _zero_slice(sh_ref, zbuf, sid):
    zeros = jnp.zeros((L,), jnp.float32)

    @plsc.parallel_loop(0, SLICE, L, unroll=8)
    def _z(i):
        zbuf[pl.ds(i, L)] = zeros
    pltpu.sync_copy(zbuf, sh_ref.at[pl.ds(sid * SLICE, SLICE)])



def _sc1_body(ei_hbm, degp_out, ebuf2, ebuf_s, vbuf, zbuf, deg_sh, sem):
    cid = lax.axis_index("c")
    sid = lax.axis_index("s")
    eoff, cnt16 = _worker_geometry(cid, sid)
    dma = pltpu.async_copy(ei_hbm.at[:, pl.ds(eoff, BUFE)], ebuf2, sem)
    _zero_slice(deg_sh, zbuf, sid)

    live = cnt16 * L

    @plsc.parallel_loop(0, BUFE, L, unroll=8)
    def _o(i):
        vbuf[pl.ds(i, L)] = jnp.where(i < live, 1.0, 0.0).astype(
            jnp.float32) + jnp.zeros((L,), jnp.float32)

    dma.wait()

    @plsc.parallel_loop(0, BUFE, L, unroll=8)
    def _f(i):
        ebuf_s[pl.ds(i, L)] = ebuf2[0, pl.ds(i, L)]
    plsc.subcore_barrier()
    pltpu.sync_copy(vbuf, deg_sh.at[ebuf_s], add=True)
    plsc.subcore_barrier()
    off = sid * SLICE
    pltpu.sync_copy(deg_sh.at[pl.ds(off, SLICE)], zbuf)
    pltpu.sync_copy(zbuf, degp_out.at[pl.ds(cid * NPAD + off, SLICE)])



def _sc2_body(ei_hbm, degp_hbm, c0_out, c1_out, t_out,
              ebuf2, ebuf_s, vbuf, abuf, bbuf, cvbuf, cibuf, tbuf,
              c_sh, cand_sh, sem):
    cid = lax.axis_index("c")
    sid = lax.axis_index("s")
    iota_f = lax.iota(jnp.int32, L).astype(jnp.float32)

    eoff, cnt16 = _worker_geometry(cid, sid)
    dma = pltpu.async_copy(ei_hbm.at[:, pl.ds(eoff, BUFE)], ebuf2, sem)
    _zero_slice(c_sh, abuf, sid)

    off = sid * SLICE
    pltpu.sync_copy(degp_hbm.at[pl.ds(off, SLICE)], abuf)
    pltpu.sync_copy(degp_hbm.at[pl.ds(NPAD + off, SLICE)], bbuf)
    base_f = off.astype(jnp.float32)
    bv0 = abuf[pl.ds(0, L)] + bbuf[pl.ds(0, L)]
    bi0 = base_f + iota_f

    def _scan(i, carry):
        bv, bi = carry
        v = abuf[pl.ds(i * L, L)] + bbuf[pl.ds(i * L, L)]
        idx = base_f + (i * L).astype(jnp.float32) + iota_f
        upd = v > bv
        return (jnp.where(upd, v, bv), jnp.where(upd, idx, bi))

    bv, bi = lax.fori_loop(1, SLICE // L, _scan, (bv0, bi0))
    cvbuf[pl.ds(0, L)] = bv
    cibuf[pl.ds(0, L)] = bi
    pltpu.sync_copy(cvbuf.at[pl.ds(0, L)], cand_sh.at[pl.ds(sid * L, L)])
    pltpu.sync_copy(cibuf.at[pl.ds(0, L)],
                    cand_sh.at[pl.ds(NSUB * L + sid * L, L)])
    plsc.subcore_barrier()

    pltpu.sync_copy(cand_sh.at[pl.ds(0, NSUB * L)], cvbuf)
    pltpu.sync_copy(cand_sh.at[pl.ds(NSUB * L, NSUB * L)], cibuf)
    rv0 = cvbuf[pl.ds(0, L)]
    ri0 = cibuf[pl.ds(0, L)]

    def _red(w, carry):
        bv_, bi_ = carry
        v = cvbuf[pl.ds(w * L, L)]
        ii = cibuf[pl.ds(w * L, L)]
        take = (v > bv_) | ((v == bv_) & (ii < bi_))
        return (jnp.where(take, v, bv_), jnp.where(take, ii, bi_))

    rv, ri = lax.fori_loop(1, NSUB, _red, (rv0, ri0))
    iota_i = lax.iota(jnp.int32, L)
    for k in (1, 2, 4, 8):
        cvbuf[pl.ds(0, L)] = rv
        cibuf[pl.ds(0, L)] = ri
        perm = iota_i ^ k
        ov = plsc.load_gather(cvbuf.at[pl.ds(0, L)], [perm])
        oi = plsc.load_gather(cibuf.at[pl.ds(0, L)], [perm])
        take = (ov > rv) | ((ov == rv) & (oi < ri))
        rv = jnp.where(take, ov, rv)
        ri = jnp.where(take, oi, ri)
    tvec = ri.astype(jnp.int32)

    @pl.when((sid == 0) & (cid == 0))
    def _():
        tbuf[...] = tvec
        pltpu.sync_copy(tbuf, t_out)

    dma.wait()
    live = cnt16 * L

    @plsc.parallel_loop(0, BUFE, L, unroll=8)
    def _cmp(i):
        ebuf_s[pl.ds(i, L)] = ebuf2[0, pl.ds(i, L)]
        d = ebuf2[1, pl.ds(i, L)]
        vbuf[pl.ds(i, L)] = jnp.where(
            (d == tvec) & (i < live), 1.0, 0.0).astype(jnp.float32)

    pltpu.sync_copy(vbuf, c_sh.at[ebuf_s], add=True)
    plsc.subcore_barrier()

    off = sid * SLICE
    pltpu.sync_copy(c_sh.at[pl.ds(off, SLICE)], abuf)

    @pl.when(cid == 0)
    def _():
        pltpu.sync_copy(abuf, c0_out.at[pl.ds(off, SLICE)])

    @pl.when(cid == 1)
    def _():
        pltpu.sync_copy(abuf, c1_out.at[pl.ds(off, SLICE)])


def _sc_counts(ei):
    mesh = plsc.VectorSubcoreMesh(core_axis_name="c", subcore_axis_name="s")
    k1 = pl.kernel(
        _sc1_body,
        out_type=[jax.ShapeDtypeStruct((2 * NPAD,), jnp.float32)],
        mesh=mesh,
        compiler_params=pltpu.CompilerParams(needs_layout_passes=False),
        scratch_types=[
            pltpu.VMEM((2, BUFE), jnp.int32),
            pltpu.VMEM((BUFE,), jnp.int32),
            pltpu.VMEM((BUFE,), jnp.float32),
            pltpu.VMEM((SLICE,), jnp.float32),
            pltpu.VMEM_SHARED((NPAD,), jnp.float32),
            pltpu.SemaphoreType.DMA,
        ],
    )
    (degp,) = k1(ei)
    k2 = pl.kernel(
        _sc2_body,
        out_type=[
            jax.ShapeDtypeStruct((NPAD,), jnp.float32),
            jax.ShapeDtypeStruct((NPAD,), jnp.float32),
            jax.ShapeDtypeStruct((L,), jnp.int32),
        ],
        mesh=mesh,
        compiler_params=pltpu.CompilerParams(needs_layout_passes=False),
        scratch_types=[
            pltpu.VMEM((2, BUFE), jnp.int32),
            pltpu.VMEM((BUFE,), jnp.int32),
            pltpu.VMEM((BUFE,), jnp.float32),
            pltpu.VMEM((SLICE,), jnp.float32),
            pltpu.VMEM((SLICE,), jnp.float32),
            pltpu.VMEM((NSUB * L,), jnp.float32),
            pltpu.VMEM((NSUB * L,), jnp.float32),
            pltpu.VMEM((L,), jnp.int32),
            pltpu.VMEM_SHARED((NPAD,), jnp.float32),
            pltpu.VMEM_SHARED((2 * NSUB * L,), jnp.float32),
            pltpu.SemaphoreType.DMA,
        ],
    )
    return k2(ei, degp)


def _tc_body(t_ref, c0_ref, c1_ref, x_ref, w_ref, b_ref, o_ref):
    h8 = lax.dot_general(x_ref[...], w_ref[...], (((1,), (1,)), ((), ())),
                         preferred_element_type=jnp.float32)
    r = t_ref[0] % 8
    rmask = lax.broadcasted_iota(jnp.int32, (8, 1), 0) == r
    h = jnp.sum(jnp.where(rmask, h8, 0.0), axis=0, keepdims=True) + b_ref[...]
    c = c0_ref[...] + c1_ref[...]
    o_ref[...] = lax.dot_general(c, h, (((0,), (0,)), ((), ())),
                                 preferred_element_type=jnp.float32)


def _tc_outer(c0, c1, x, w, b2, t_sp):
    blk = 5120
    cspec = pl.BlockSpec((1, blk), lambda i, t_ref: (0, i))
    grid_spec = pltpu.PrefetchScalarGridSpec(
        num_scalar_prefetch=1,
        grid=(NPAD // blk,),
        in_specs=[
            cspec,
            cspec,
            pl.BlockSpec((8, DF), lambda i, t_ref: (t_ref[0] // 8, 0)),
            pl.BlockSpec((DF, DF), lambda i, t_ref: (0, 0)),
            pl.BlockSpec((1, DF), lambda i, t_ref: (0, 0)),
        ],
        out_specs=pl.BlockSpec((blk, DF), lambda i, t_ref: (i, 0)),
    )
    return pl.pallas_call(
        _tc_body,
        grid_spec=grid_spec,
        out_shape=jax.ShapeDtypeStruct((N, DF), jnp.float32),
    )(t_sp, c0, c1, x, w, b2)


def kernel(x, edge_index, batch_index, W, b):
    c0, c1, t_vec = _sc_counts(edge_index)
    return _tc_outer(c0.reshape(1, NPAD), c1.reshape(1, NPAD), x, W,
                     b.reshape(1, DF), t_vec[:1])

# --- scband reference (transcript-rebuilt; emitter-appended) ---
"""Pipeline reference for scband-unidirectional-adjacency-control-22273700397207 (READ-ONLY COPY).

The authoritative reference and input builder live on the scoring server;
editing this copy changes nothing except your own understanding.
"""

import jax, jax.numpy as jnp
import numpy as np

N = 10000
E = 320000
D_FEAT = 128
NUM_GRAPHS = 16
K = 1


def setup_inputs(seed: int = 0) -> dict:
    key = jax.random.key(seed)
    k1, k2, k3, k4, k5 = jax.random.split(key, 5)
    x = jax.random.normal(k1, (N, D_FEAT), dtype=jnp.float32)
    edge_index = jax.random.randint(k2, (2, E), 0, N, dtype=jnp.int32)
    batch_index = jnp.sort(jax.random.randint(k3, (N,), 0, NUM_GRAPHS, dtype=jnp.int32))
    # nn.Linear(feature_dim, feature_dim) parameters
    bound = 1.0 / np.sqrt(D_FEAT)
    W = jax.random.uniform(k4, (D_FEAT, D_FEAT), dtype=jnp.float32, minval=-bound, maxval=bound)
    b = jax.random.uniform(k5, (D_FEAT,), dtype=jnp.float32, minval=-bound, maxval=bound)
    return {"x": x, "edge_index": edge_index, "batch_index": batch_index, "W": W, "b": b}


def reference(x, edge_index, batch_index, W, b):
    # x = self.linear(x)
    h = x @ W.T + b
    # _get_B: to_dense_adj(edge_index)[0] -> scatter-add ones into dense [N, N]
    A = jnp.zeros((N, N), dtype=jnp.float32).at[edge_index[0], edge_index[1]].add(1.0)
    D = jnp.sum(A, axis=1)
    # NOTE: original code calls torch.topk(D, k) on the FULL degree vector inside
    # the per-sample loop (a bug in the source), so every sample contributes the
    # same global top-k node indices. The concatenated indices collapse to the
    # single global top-k set when written into the 0/1 mask, so we compute it once.
    _, top_idx = jax.lax.top_k(D, K)
    mask_vec = jnp.zeros((N,), dtype=jnp.float32).at[top_idx].set(1.0)
    B = A * mask_vec  # broadcasts over last dim (masks columns), same as torch
    out = B @ h
    return out

if __name__ == "__main__":
    import jax
    _d = setup_inputs()
    print(jax.jit(kernel)(*tuple(_d.values())))

</pallas_src>

<mosaic_0001>
#map = affine_map<(d0, d1) -> (0, 0)>
#map1 = affine_map<(d0, d1) -> (0)>
module attributes {stable_mosaic.version = 14 : i64} {
  func.func @_sc2_body(%arg0: i32, %arg1: i32, %arg2: memref<2x320000xi32, #tpu.memory_space<hbm>>, %arg3: memref<20480xf32, #tpu.memory_space<hbm>>, %arg4: memref<10240xf32, #tpu.memory_space<hbm>>, %arg5: memref<10240xf32, #tpu.memory_space<hbm>>, %arg6: memref<16xi32, #tpu.memory_space<hbm>>, %arg7: memref<2x10240xi32, #tpu.memory_space<vmem>>, %arg8: memref<10240xi32, #tpu.memory_space<vmem>>, %arg9: memref<10240xf32, #tpu.memory_space<vmem>>, %arg10: memref<640xf32, #tpu.memory_space<vmem>>, %arg11: memref<640xf32, #tpu.memory_space<vmem>>, %arg12: memref<256xf32, #tpu.memory_space<vmem>>, %arg13: memref<256xf32, #tpu.memory_space<vmem>>, %arg14: memref<16xi32, #tpu.memory_space<vmem>>, %arg15: memref<10240xf32, #tpu.memory_space<vmem_shared>>, %arg16: memref<512xf32, #tpu.memory_space<vmem_shared>>, %arg17: memref<!tpu.dma_semaphore, #tpu.memory_space<semaphore_mem>>) attributes {dimension_semantics = [#tpu.dimension_semantics<core_parallel>, #tpu.dimension_semantics<subcore_parallel>], iteration_bounds = array<i64: 2, 16>, scalar_prefetch = 0 : i64, scratch_operands = 11 : i64, tpu.core_type = #tpu.core_type<sc_vector_subcore>, window_params = [{transform_indices = #map}, {transform_indices = #map1}, {transform_indices = #map1}, {transform_indices = #map1}, {transform_indices = #map1}]} {
    %iota3A = tpu.iota {dimensions = array<i32: 0>} : vector<16xi32>
    %convert_element_type3A = arith.sitofp %iota3A : vector<16xi32> to vector<16xf32>
    %mul3A = arith.constant 39 : i32
    %mul3A_0 = arith.muli %arg1, %mul3A : i32
    %mul3A_1 = arith.constant 20 : i32
    %mul3A_2 = arith.muli %arg0, %mul3A_1 : i32
    %add3A = arith.addi %mul3A_0, %mul3A_2 : i32
    %eq3A = arith.constant 0 : i32
    %eq3A_3 = arith.cmpi eq, %arg0, %eq3A : i32
    %eq3A_4 = arith.constant 15 : i32
    %eq3A_5 = arith.cmpi eq, %arg1, %eq3A_4 : i32
    %jit3A = arith.constant 640 : i32
    %jit3A_6 = arith.constant 608 : i32
    %select_n3A = arith.select %eq3A_5, %jit3A, %jit3A_6 : i32
    %jit3A_7 = arith.constant 640 : i32
    %select_n3A_8 = arith.select %eq3A_3, %jit3A_7, %select_n3A : i32
    %mul3A_9 = arith.constant 512 : i32
    %mul3A_10 = arith.muli %add3A, %mul3A_9 : i32
    %dma_start3A = arith.constant 0 : i32
    %dma_start3A_11 = tpu.memref_slice %arg2[%dma_start3A, %mul3A_10] : memref<2x320000xi32, #tpu.memory_space<hbm>> -> memref<2x10240xi32, #tpu.memory_space<hbm>>
    %dma_start3A_12 = arith.constant 0 : i32
    %dma_start3A_13 = tpu.memref_slice %arg2[%dma_start3A_12, %mul3A_10] : memref<2x320000xi32, #tpu.memory_space<hbm>> -> memref<2x10240xi32, #tpu.memory_space<hbm>>
    tpu.enqueue_dma source(%dma_start3A_13 : memref<2x10240xi32, #tpu.memory_space<hbm>>) target(%arg7 : memref<2x10240xi32, #tpu.memory_space<vmem>>) target_semaphore(%arg17 : memref<!tpu.dma_semaphore, #tpu.memory_space<semaphore_mem>>)
    %broadcast_in_dim3A = arith.constant 0.000000e+00 : f32
    %broadcast_in_dim3A_14 = vector.broadcast %broadcast_in_dim3A : f32 to vector<16xf32>
    %parallel_loop3A = arith.constant 0 : i32
    %parallel_loop3A_15 = arith.constant 640 : i32
    %parallel_loop3A_16 = arith.constant 16 : i32
    scf.for %parallel_loop3A_158 = %parallel_loop3A to %parallel_loop3A_15 step %parallel_loop3A_16  : i32 {
      %parallel_loop3A_159 = arith.index_cast %parallel_loop3A_158 : i32 to index
      %parallel_loop3A_160 = tpu.vector_load %arg10[%parallel_loop3A_159] {strides = array<i32>} : memref<640xf32, #tpu.memory_space<vmem>>, vector<16xf32>,
      tpu.vector_store %arg10[%parallel_loop3A_159], %broadcast_in_dim3A_14 {strides = array<i32>} : memref<640xf32, #tpu.memory_space<vmem>>, vector<16xf32>,
    } {sc.loop_unroll_factor = 8 : i64, sc.parallel_access}
    %mul3A_17 = arith.constant 640 : i32
    %mul3A_18 = arith.muli %arg1, %mul3A_17 : i32
    "tpu.region"() ({
      %run_scoped3A = tpu.sem_alloc : memref<!tpu.dma_semaphore, #tpu.memory_space<semaphore_mem>>
      %dma_start3A_158 = tpu.memref_slice %arg15[%mul3A_18] : memref<10240xf32, #tpu.memory_space<vmem_shared>> -> memref<640xf32, #tpu.memory_space<vmem_shared>>
      %dma_start3A_159 = tpu.memref_slice %arg15[%mul3A_18] : memref<10240xf32, #tpu.memory_space<vmem_shared>> -> memref<640xf32, #tpu.memory_space<vmem_shared>>
      tpu.enqueue_dma source(%arg10 : memref<640xf32, #tpu.memory_space<vmem>>) target(%dma_start3A_159 : memref<640xf32, #tpu.memory_space<vmem_shared>>) target_semaphore(%run_scoped3A : memref<!tpu.dma_semaphore, #tpu.memory_space<semaphore_mem>>)
      %dma_wait3A_160 = tpu.memref_slice %arg15[%mul3A_18] : memref<10240xf32, #tpu.memory_space<vmem_shared>> -> memref<640xf32, #tpu.memory_space<vmem_shared>>
      %dma_wait3A_161 = tpu.memref_slice %arg15[%mul3A_18] : memref<10240xf32, #tpu.memory_space<vmem_shared>> -> memref<640xf32, #tpu.memory_space<vmem_shared>>
      tpu.wait_dma2 semaphore(%run_scoped3A : memref<!tpu.dma_semaphore, #tpu.memory_space<semaphore_mem>>) src(%arg10 : memref<640xf32, #tpu.memory_space<vmem>>) dst(%dma_wait3A_161 : memref<640xf32, #tpu.memory_space<vmem_shared>>)
      tpu.yield
    }) : () -> ()
    %mul3A_19 = arith.constant 640 : i32
    %mul3A_20 = arith.muli %arg1, %mul3A_19 : i32
    "tpu.region"() ({
      %run_scoped3A = tpu.sem_alloc : memref<!tpu.dma_semaphore, #tpu.memory_space<semaphore_mem>>
      %dma_start3A_158 = tpu.memref_slice %arg3[%mul3A_20] : memref<20480xf32, #tpu.memory_space<hbm>> -> memref<640xf32, #tpu.memory_space<hbm>>
      %dma_start3A_159 = tpu.memref_slice %arg3[%mul3A_20] : memref<20480xf32, #tpu.memory_space<hbm>> -> memref<640xf32, #tpu.memory_space<hbm>>
      tpu.enqueue_dma source(%dma_start3A_159 : memref<640xf32, #tpu.memory_space<hbm>>) target(%arg10 : memref<640xf32, #tpu.memory_space<vmem>>) target_semaphore(%run_scoped3A : memref<!tpu.dma_semaphore, #tpu.memory_space<semaphore_mem>>)
      %dma_wait3A_160 = tpu.memref_slice %arg3[%mul3A_20] : memref<20480xf32, #tpu.memory_space<hbm>> -> memref<640xf32, #tpu.memory_space<hbm>>
      %dma_wait3A_161 = tpu.memref_slice %arg3[%mul3A_20] : memref<20480xf32, #tpu.memory_space<hbm>> -> memref<640xf32, #tpu.memory_space<hbm>>
      tpu.wait_dma2 semaphore(%run_scoped3A : memref<!tpu.dma_semaphore, #tpu.memory_space<semaphore_mem>>) src(%dma_wait3A_161 : memref<640xf32, #tpu.memory_space<hbm>>) dst(%arg10 : memref<640xf32, #tpu.memory_space<vmem>>)
      tpu.yield
    }) : () -> ()
    %add3A_21 = arith.constant 10240 : i32
    %add3A_22 = arith.addi %add3A_21, %mul3A_20 : i32
    "tpu.region"() ({
      %run_scoped3A = tpu.sem_alloc : memref<!tpu.dma_semaphore, #tpu.memory_space<semaphore_mem>>
      %dma_start3A_158 = tpu.memref_slice %arg3[%add3A_22] : memref<20480xf32, #tpu.memory_space<hbm>> -> memref<640xf32, #tpu.memory_space<hbm>>
      %dma_start3A_159 = tpu.memref_slice %arg3[%add3A_22] : memref<20480xf32, #tpu.memory_space<hbm>> -> memref<640xf32, #tpu.memory_space<hbm>>
      tpu.enqueue_dma source(%dma_start3A_159 : memref<640xf32, #tpu.memory_space<hbm>>) target(%arg11 : memref<640xf32, #tpu.memory_space<vmem>>) target_semaphore(%run_scoped3A : memref<!tpu.dma_semaphore, #tpu.memory_space<semaphore_mem>>)
      %dma_wait3A_160 = tpu.memref_slice %arg3[%add3A_22] : memref<20480xf32, #tpu.memory_space<hbm>> -> memref<640xf32, #tpu.memory_space<hbm>>
      %dma_wait3A_161 = tpu.memref_slice %arg3[%add3A_22] : memref<20480xf32, #tpu.memory_space<hbm>> -> memref<640xf32, #tpu.memory_space<hbm>>
      tpu.wait_dma2 semaphore(%run_scoped3A : memref<!tpu.dma_semaphore, #tpu.memory_space<semaphore_mem>>) src(%dma_wait3A_161 : memref<640xf32, #tpu.memory_space<hbm>>) dst(%arg11 : memref<640xf32, #tpu.memory_space<vmem>>)
      tpu.yield
    }) : () -> ()
    %convert_element_type3A_23 = arith.sitofp %mul3A_20 : i32 to f32
    %get3A = arith.constant 0 : index
    %get3A_24 = tpu.vector_load %arg10[%get3A] {strides = array<i32>} : memref<640xf32, #tpu.memory_space<vmem>>, vector<16xf32>,
    %get3A_25 = arith.constant 0 : index
    %get3A_26 = tpu.vector_load %arg11[%get3A_25] {strides = array<i32>} : memref<640xf32, #tpu.memory_space<vmem>>, vector<16xf32>,
    %add3A_27 = arith.addf %get3A_24, %get3A_26 : vector<16xf32>
    %add3A_28 = vector.broadcast %convert_element_type3A_23 : f32 to vector<16xf32>
    %add3A_29 = arith.addf %add3A_28, %convert_element_type3A : vector<16xf32>
    %scan3A = arith.constant 1 : i32
    %scan3A_30 = arith.constant 39 : i32
    %scan3A_31 = arith.addi %scan3A, %scan3A_30 : i32
    %scan3A_32 = arith.constant 1 : i32
    %scan3A_33:2 = scf.for %scan3A_158 = %scan3A to %scan3A_31 step %scan3A_32 iter_args(%scan3A_159 = %add3A_27, %scan3A_160 = %add3A_29) -> (vector<16xf32>, vector<16xf32>)  : i32 {
      %mul3A_161 = arith.constant 16 : i32
      %mul3A_162 = arith.muli %scan3A_158, %mul3A_161 : i32
      %get3A_163 = arith.index_cast %mul3A_162 : i32 to index
      %get3A_164 = tpu.vector_load %arg10[%get3A_163] {strides = array<i32>} : memref<640xf32, #tpu.memory_space<vmem>>, vector<16xf32>,
      %mul3A_165 = arith.constant 16 : i32
      %mul3A_166 = arith.muli %scan3A_158, %mul3A_165 : i32
      %get3A_167 = arith.index_cast %mul3A_166 : i32 to index
      %get3A_168 = tpu.vector_load %arg11[%get3A_167] {strides = array<i32>} : memref<640xf32, #tpu.memory_space<vmem>>, vector<16xf32>,
      %add3A_169 = arith.addf %get3A_164, %get3A_168 : vector<16xf32>
      %mul3A_170 = arith.constant 16 : i32
      %mul3A_171 = arith.muli %scan3A_158, %mul3A_170 : i32
      %convert_element_type3A_172 = arith.sitofp %mul3A_171 : i32 to f32
      %add3A_173 = arith.addf %convert_element_type3A_23, %convert_element_type3A_172 : f32
      %add3A_174 = vector.broadcast %add3A_173 : f32 to vector<16xf32>
      %add3A_175 = arith.addf %add3A_174, %convert_element_type3A : vector<16xf32>
      %gt3A_176 = arith.cmpf ogt, %add3A_169, %scan3A_159 : vector<16xf32>
      %select_n3A_177 = arith.select %gt3A_176, %add3A_169, %scan3A_159 : vector<16xi1>, vector<16xf32>
      %select_n3A_178 = arith.select %gt3A_176, %add3A_175, %scan3A_160 : vector<16xi1>, vector<16xf32>
      scf.yield %select_n3A_177, %select_n3A_178 : vector<16xf32>, vector<16xf32>
    }
    %scan3A_34 = arith.constant 39 : i32
    %swap3A = arith.constant 0 : index
    %swap3A_35 = tpu.vector_load %arg12[%swap3A] {strides = array<i32>} : memref<256xf32, #tpu.memory_space<vmem>>, vector<16xf32>,
    tpu.vector_store %arg12[%swap3A], %scan3A_33#0 {strides = array<i32>} : memref<256xf32, #tpu.memory_space<vmem>>, vector<16xf32>,
    %swap3A_36 = arith.constant 0 : index
    %swap3A_37 = tpu.vector_load %arg13[%swap3A_36] {strides = array<i32>} : memref<256xf32, #tpu.memory_space<vmem>>, vector<16xf32>,
    tpu.vector_store %arg13[%swap3A_36], %scan3A_33#1 {strides = array<i32>} : memref<256xf32, #tpu.memory_space<vmem>>, vector<16xf32>,
    %mul3A_38 = arith.constant 16 : i32
    %mul3A_39 = arith.muli %arg1, %mul3A_38 : i32
    "tpu.region"() ({
      %run_scoped3A = tpu.sem_alloc : memref<!tpu.dma_semaphore, #tpu.memory_space<semaphore_mem>>
      %dma_start3A_158 = arith.constant 0 : i32
      %dma_start3A_159 = tpu.memref_slice %arg12[%dma_start3A_158] : memref<256xf32, #tpu.memory_space<vmem>> -> memref<16xf32, #tpu.memory_space<vmem>>
      %dma_start3A_160 = tpu.memref_slice %arg16[%mul3A_39] : memref<512xf32, #tpu.memory_space<vmem_shared>> -> memref<16xf32, #tpu.memory_space<vmem_shared>>
      %dma_start3A_161 = tpu.memref_slice %arg16[%mul3A_39] : memref<512xf32, #tpu.memory_space<vmem_shared>> -> memref<16xf32, #tpu.memory_space<vmem_shared>>
      %dma_start3A_162 = arith.constant 0 : i32
      %dma_start3A_163 = tpu.memref_slice %arg12[%dma_start3A_162] : memref<256xf32, #tpu.memory_space<vmem>> -> memref<16xf32, #tpu.memory_space<vmem>>
      tpu.enqueue_dma source(%dma_start3A_163 : memref<16xf32, #tpu.memory_space<vmem>>) target(%dma_start3A_161 : memref<16xf32, #tpu.memory_space<vmem_shared>>) target_semaphore(%run_scoped3A : memref<!tpu.dma_semaphore, #tpu.memory_space<semaphore_mem>>)
      %dma_wait3A_164 = arith.constant 0 : i32
      %dma_wait3A_165 = tpu.memref_slice %arg12[%dma_wait3A_164] : memref<256xf32, #tpu.memory_space<vmem>> -> memref<16xf32, #tpu.memory_space<vmem>>
      %dma_wait3A_166 = tpu.memref_slice %arg16[%mul3A_39] : memref<512xf32, #tpu.memory_space<vmem_shared>> -> memref<16xf32, #tpu.memory_space<vmem_shared>>
      %dma_wait3A_167 = tpu.memref_slice %arg16[%mul3A_39] : memref<512xf32, #tpu.memory_space<vmem_shared>> -> memref<16xf32, #tpu.memory_space<vmem_shared>>
      %dma_wait3A_168 = arith.constant 0 : i32
      %dma_wait3A_169 = tpu.memref_slice %arg12[%dma_wait3A_168] : memref<256xf32, #tpu.memory_space<vmem>> -> memref<16xf32, #tpu.memory_space<vmem>>
      tpu.wait_dma2 semaphore(%run_scoped3A : memref<!tpu.dma_semaphore, #tpu.memory_space<semaphore_mem>>) src(%dma_wait3A_169 : memref<16xf32, #tpu.memory_space<vmem>>) dst(%dma_wait3A_167 : memref<16xf32, #tpu.memory_space<vmem_shared>>)
      tpu.yield
    }) : () -> ()
    %mul3A_40 = arith.constant 16 : i32
    %mul3A_41 = arith.muli %arg1, %mul3A_40 : i32
    %add3A_42 = arith.constant 256 : i32
    %add3A_43 = arith.addi %add3A_42, %mul3A_41 : i32
    "tpu.region"() ({
      %run_scoped3A = tpu.sem_alloc : memref<!tpu.dma_semaphore, #tpu.memory_space<semaphore_mem>>
      %dma_start3A_158 = arith.constant 0 : i32
      %dma_start3A_159 = tpu.memref_slice %arg13[%dma_start3A_158] : memref<256xf32, #tpu.memory_space<vmem>> -> memref<16xf32, #tpu.memory_space<vmem>>
      %dma_start3A_160 = tpu.memref_slice %arg16[%add3A_43] : memref<512xf32, #tpu.memory_space<vmem_shared>> -> memref<16xf32, #tpu.memory_space<vmem_shared>>
      %dma_start3A_161 = tpu.memref_slice %arg16[%add3A_43] : memref<512xf32, #tpu.memory_space<vmem_shared>> -> memref<16xf32, #tpu.memory_space<vmem_shared>>
      %dma_start3A_162 = arith.constant 0 : i32
      %dma_start3A_163 = tpu.memref_slice %arg13[%dma_start3A_162] : memref<256xf32, #tpu.memory_space<vmem>> -> memref<16xf32, #tpu.memory_space<vmem>>
      tpu.enqueue_dma source(%dma_start3A_163 : memref<16xf32, #tpu.memory_space<vmem>>) target(%dma_start3A_161 : memref<16xf32, #tpu.memory_space<vmem_shared>>) target_semaphore(%run_scoped3A : memref<!tpu.dma_semaphore, #tpu.memory_space<semaphore_mem>>)
      %dma_wait3A_164 = arith.constant 0 : i32
      %dma_wait3A_165 = tpu.memref_slice %arg13[%dma_wait3A_164] : memref<256xf32, #tpu.memory_space<vmem>> -> memref<16xf32, #tpu.memory_space<vmem>>
      %dma_wait3A_166 = tpu.memref_slice %arg16[%add3A_43] : memref<512xf32, #tpu.memory_space<vmem_shared>> -> memref<16xf32, #tpu.memory_space<vmem_shared>>
      %dma_wait3A_167 = tpu.memref_slice %arg16[%add3A_43] : memref<512xf32, #tpu.memory_space<vmem_shared>> -> memref<16xf32, #tpu.memory_space<vmem_shared>>
      %dma_wait3A_168 = arith.constant 0 : i32
      %dma_wait3A_169 = tpu.memref_slice %arg13[%dma_wait3A_168] : memref<256xf32, #tpu.memory_space<vmem>> -> memref<16xf32, #tpu.memory_space<vmem>>
      tpu.wait_dma2 semaphore(%run_scoped3A : memref<!tpu.dma_semaphore, #tpu.memory_space<semaphore_mem>>) src(%dma_wait3A_169 : memref<16xf32, #tpu.memory_space<vmem>>) dst(%dma_wait3A_167 : memref<16xf32, #tpu.memory_space<vmem_shared>>)
      tpu.yield
    }) : () -> ()
    %barrier3A = arith.constant 0 : index
    tpu.barrier barrier_id(%barrier3A)
    "tpu.region"() ({
      %run_scoped3A = tpu.sem_alloc : memref<!tpu.dma_semaphore, #tpu.memory_space<semaphore_mem>>
      %dma_start3A_158 = arith.constant 0 : i32
      %dma_start3A_159 = tpu.memref_slice %arg16[%dma_start3A_158] : memref<512xf32, #tpu.memory_space<vmem_shared>> -> memref<256xf32, #tpu.memory_space<vmem_shared>>
      %dma_start3A_160 = arith.constant 0 : i32
      %dma_start3A_161 = tpu.memref_slice %arg16[%dma_start3A_160] : memref<512xf32, #tpu.memory_space<vmem_shared>> -> memref<256xf32, #tpu.memory_space<vmem_shared>>
      tpu.enqueue_dma source(%dma_start3A_161 : memref<256xf32, #tpu.memory_space<vmem_shared>>) target(%arg12 : memref<256xf32, #tpu.memory_space<vmem>>) target_semaphore(%run_scoped3A : memref<!tpu.dma_semaphore, #tpu.memory_space<semaphore_mem>>)
      %dma_wait3A_162 = arith.constant 0 : i32
      %dma_wait3A_163 = tpu.memref_slice %arg16[%dma_wait3A_162] : memref<512xf32, #tpu.memory_space<vmem_shared>> -> memref<256xf32, #tpu.memory_space<vmem_shared>>
      %dma_wait3A_164 = arith.constant 0 : i32
      %dma_wait3A_165 = tpu.memref_slice %arg16[%dma_wait3A_164] : memref<512xf32, #tpu.memory_space<vmem_shared>> -> memref<256xf32, #tpu.memory_space<vmem_shared>>
      tpu.wait_dma2 semaphore(%run_scoped3A : memref<!tpu.dma_semaphore, #tpu.memory_space<semaphore_mem>>) src(%dma_wait3A_165 : memref<256xf32, #tpu.memory_space<vmem_shared>>) dst(%arg12 : memref<256xf32, #tpu.memory_space<vmem>>)
      tpu.yield
    }) : () -> ()
    "tpu.region"() ({
      %run_scoped3A = tpu.sem_alloc : memref<!tpu.dma_semaphore, #tpu.memory_space<semaphore_mem>>
      %dma_start3A_158 = arith.constant 256 : i32
      %dma_start3A_159 = tpu.memref_slice %arg16[%dma_start3A_158] : memref<512xf32, #tpu.memory_space<vmem_shared>> -> memref<256xf32, #tpu.memory_space<vmem_shared>>
      %dma_start3A_160 = arith.constant 256 : i32
      %dma_start3A_161 = tpu.memref_slice %arg16[%dma_start3A_160] : memref<512xf32, #tpu.memory_space<vmem_shared>> -> memref<256xf32, #tpu.memory_space<vmem_shared>>
      tpu.enqueue_dma source(%dma_start3A_161 : memref<256xf32, #tpu.memory_space<vmem_shared>>) target(%arg13 : memref<256xf32, #tpu.memory_space<vmem>>) target_semaphore(%run_scoped3A : memref<!tpu.dma_semaphore, #tpu.memory_space<semaphore_mem>>)
      %dma_wait3A_162 = arith.constant 256 : i32
      %dma_wait3A_163 = tpu.memref_slice %arg16[%dma_wait3A_162] : memref<512xf32, #tpu.memory_space<vmem_shared>> -> memref<256xf32, #tpu.memory_space<vmem_shared>>
      %dma_wait3A_164 = arith.constant 256 : i32
      %dma_wait3A_165 = tpu.memref_slice %arg16[%dma_wait3A_164] : memref<512xf32, #tpu.memory_space<vmem_shared>> -> memref<256xf32, #tpu.memory_space<vmem_shared>>
      tpu.wait_dma2 semaphore(%run_scoped3A : memref<!tpu.dma_semaphore, #tpu.memory_space<semaphore_mem>>) src(%dma_wait3A_165 : memref<256xf32, #tpu.memory_space<vmem_shared>>) dst(%arg13 : memref<256xf32, #tpu.memory_space<vmem>>)
      tpu.yield
    }) : () -> ()
    %get3A_44 = arith.constant 0 : index
    %get3A_45 = tpu.vector_load %arg12[%get3A_44] {strides = array<i32>} : memref<256xf32, #tpu.memory_space<vmem>>, vector<16xf32>,
    %get3A_46 = arith.constant 0 : index
    %get3A_47 = tpu.vector_load %arg13[%get3A_46] {strides = array<i32>} : memref<256xf32, #tpu.memory_space<vmem>>, vector<16xf32>,
    %scan3A_48 = arith.constant 1 : i32
    %scan3A_49 = arith.constant 15 : i32
    %scan3A_50 = arith.addi %scan3A_48, %scan3A_49 : i32
    %scan3A_51 = arith.constant 1 : i32
    %scan3A_52:2 = scf.for %scan3A_158 = %scan3A_48 to %scan3A_50 step %scan3A_51 iter_args(%scan3A_159 = %get3A_45, %scan3A_160 = %get3A_47) -> (vector<16xf32>, vector<16xf32>)  : i32 {
      %mul3A_161 = arith.constant 16 : i32
      %mul3A_162 = arith.muli %scan3A_158, %mul3A_161 : i32
      %get3A_163 = arith.index_cast %mul3A_162 : i32 to index
      %get3A_164 = tpu.vector_load %arg12[%get3A_163] {strides = array<i32>} : memref<256xf32, #tpu.memory_space<vmem>>, vector<16xf32>,
      %mul3A_165 = arith.constant 16 : i32
      %mul3A_166 = arith.muli %scan3A_158, %mul3A_165 : i32
      %get3A_167 = arith.index_cast %mul3A_166 : i32 to index
      %get3A_168 = tpu.vector_load %arg13[%get3A_167] {strides = array<i32>} : memref<256xf32, #tpu.memory_space<vmem>>, vector<16xf32>,
      %gt3A_169 = arith.cmpf ogt, %get3A_164, %scan3A_159 : vector<16xf32>
      %eq3A_170 = arith.cmpf oeq, %get3A_164, %scan3A_159 : vector<16xf32>
      %lt3A_171 = arith.cmpf olt, %get3A_168, %scan3A_160 : vector<16xf32>
      %and3A_172 = arith.andi %eq3A_170, %lt3A_171 : vector<16xi1>
      %or3A_173 = arith.ori %gt3A_169, %and3A_172 : vector<16xi1>
      %select_n3A_174 = arith.select %or3A_173, %get3A_164, %scan3A_159 : vector<16xi1>, vector<16xf32>
      %select_n3A_175 = arith.select %or3A_173, %get3A_168, %scan3A_160 : vector<16xi1>, vector<16xf32>
      scf.yield %select_n3A_174, %select_n3A_175 : vector<16xf32>, vector<16xf32>
    }
    %scan3A_53 = arith.constant 15 : i32
    %iota3A_54 = tpu.iota {dimensions = array<i32: 0>} : vector<16xi32>
    %swap3A_55 = arith.constant 0 : index
    %swap3A_56 = tpu.vector_load %arg12[%swap3A_55] {strides = array<i32>} : memref<256xf32, #tpu.memory_space<vmem>>, vector<16xf32>,
    tpu.vector_store %arg12[%swap3A_55], %scan3A_52#0 {strides = array<i32>} : memref<256xf32, #tpu.memory_space<vmem>>, vector<16xf32>,
    %swap3A_57 = arith.constant 0 : index
    %swap3A_58 = tpu.vector_load %arg13[%swap3A_57] {strides = array<i32>} : memref<256xf32, #tpu.memory_space<vmem>>, vector<16xf32>,
    tpu.vector_store %arg13[%swap3A_57], %scan3A_52#1 {strides = array<i32>} : memref<256xf32, #tpu.memory_space<vmem>>, vector<16xf32>,
    %xor3A = arith.constant 1 : i32
    %xor3A_59 = vector.broadcast %xor3A : i32 to vector<16xi32>
    %xor3A_60 = arith.xori %iota3A_54, %xor3A_59 : vector<16xi32>
    %gather3A = arith.constant 0 : i32
    %gather3A_61 = tpu.memref_slice %arg12[%gather3A] : memref<256xf32, #tpu.memory_space<vmem>> -> memref<16xf32, #tpu.memory_space<vmem>>
    %gather3A_62 = tpu.vector_load_idx %gather3A_61[%xor3A_60] : memref<16xf32, #tpu.memory_space<vmem>>[vector<16xi32>], vector<16xf32>,
    %gather3A_63 = arith.constant 0 : i32
    %gather3A_64 = tpu.memref_slice %arg13[%gather3A_63] : memref<256xf32, #tpu.memory_space<vmem>> -> memref<16xf32, #tpu.memory_space<vmem>>
    %gather3A_65 = tpu.vector_load_idx %gather3A_64[%xor3A_60] : memref<16xf32, #tpu.memory_space<vmem>>[vector<16xi32>], vector<16xf32>,
    %gt3A = arith.cmpf ogt, %gather3A_62, %scan3A_52#0 : vector<16xf32>
    %eq3A_66 = arith.cmpf oeq, %gather3A_62, %scan3A_52#0 : vector<16xf32>
    %lt3A = arith.cmpf olt, %gather3A_65, %scan3A_52#1 : vector<16xf32>
    %and3A = arith.andi %eq3A_66, %lt3A : vector<16xi1>
    %or3A = arith.ori %gt3A, %and3A : vector<16xi1>
    %select_n3A_67 = arith.select %or3A, %gather3A_62, %scan3A_52#0 : vector<16xi1>, vector<16xf32>
    %select_n3A_68 = arith.select %or3A, %gather3A_65, %scan3A_52#1 : vector<16xi1>, vector<16xf32>
    %swap3A_69 = arith.constant 0 : index
    %swap3A_70 = tpu.vector_load %arg12[%swap3A_69] {strides = array<i32>} : memref<256xf32, #tpu.memory_space<vmem>>, vector<16xf32>,
    tpu.vector_store %arg12[%swap3A_69], %select_n3A_67 {strides = array<i32>} : memref<256xf32, #tpu.memory_space<vmem>>, vector<16xf32>,
    %swap3A_71 = arith.constant 0 : index
    %swap3A_72 = tpu.vector_load %arg13[%swap3A_71] {strides = array<i32>} : memref<256xf32, #tpu.memory_space<vmem>>, vector<16xf32>,
    tpu.vector_store %arg13[%swap3A_71], %select_n3A_68 {strides = array<i32>} : memref<256xf32, #tpu.memory_space<vmem>>, vector<16xf32>,
    %xor3A_73 = arith.constant 2 : i32
    %xor3A_74 = vector.broadcast %xor3A_73 : i32 to vector<16xi32>
    %xor3A_75 = arith.xori %iota3A_54, %xor3A_74 : vector<16xi32>
    %gather3A_76 = arith.constant 0 : i32
    %gather3A_77 = tpu.memref_slice %arg12[%gather3A_76] : memref<256xf32, #tpu.memory_space<vmem>> -> memref<16xf32, #tpu.memory_space<vmem>>
    %gather3A_78 = tpu.vector_load_idx %gather3A_77[%xor3A_75] : memref<16xf32, #tpu.memory_space<vmem>>[vector<16xi32>], vector<16xf32>,
    %gather3A_79 = arith.constant 0 : i32
    %gather3A_80 = tpu.memref_slice %arg13[%gather3A_79] : memref<256xf32, #tpu.memory_space<vmem>> -> memref<16xf32, #tpu.memory_space<vmem>>
    %gather3A_81 = tpu.vector_load_idx %gather3A_80[%xor3A_75] : memref<16xf32, #tpu.memory_space<vmem>>[vector<16xi32>], vector<16xf32>,
    %gt3A_82 = arith.cmpf ogt, %gather3A_78, %select_n3A_67 : vector<16xf32>
    %eq3A_83 = arith.cmpf oeq, %gather3A_78, %select_n3A_67 : vector<16xf32>
    %lt3A_84 = arith.cmpf olt, %gather3A_81, %select_n3A_68 : vector<16xf32>
    %and3A_85 = arith.andi %eq3A_83, %lt3A_84 : vector<16xi1>
    %or3A_86 = arith.ori %gt3A_82, %and3A_85 : vector<16xi1>
    %select_n3A_87 = arith.select %or3A_86, %gather3A_78, %select_n3A_67 : vector<16xi1>, vector<16xf32>
    %select_n3A_88 = arith.select %or3A_86, %gather3A_81, %select_n3A_68 : vector<16xi1>, vector<16xf32>
    %swap3A_89 = arith.constant 0 : index
    %swap3A_90 = tpu.vector_load %arg12[%swap3A_89] {strides = array<i32>} : memref<256xf32, #tpu.memory_space<vmem>>, vector<16xf32>,
    tpu.vector_store %arg12[%swap3A_89], %select_n3A_87 {strides = array<i32>} : memref<256xf32, #tpu.memory_space<vmem>>, vector<16xf32>,
    %swap3A_91 = arith.constant 0 : index
    %swap3A_92 = tpu.vector_load %arg13[%swap3A_91] {strides = array<i32>} : memref<256xf32, #tpu.memory_space<vmem>>, vector<16xf32>,
    tpu.vector_store %arg13[%swap3A_91], %select_n3A_88 {strides = array<i32>} : memref<256xf32, #tpu.memory_space<vmem>>, vector<16xf32>,
    %xor3A_93 = arith.constant 4 : i32
    %xor3A_94 = vector.broadcast %xor3A_93 : i32 to vector<16xi32>
    %xor3A_95 = arith.xori %iota3A_54, %xor3A_94 : vector<16xi32>
    %gather3A_96 = arith.constant 0 : i32
    %gather3A_97 = tpu.memref_slice %arg12[%gather3A_96] : memref<256xf32, #tpu.memory_space<vmem>> -> memref<16xf32, #tpu.memory_space<vmem>>
    %gather3A_98 = tpu.vector_load_idx %gather3A_97[%xor3A_95] : memref<16xf32, #tpu.memory_space<vmem>>[vector<16xi32>], vector<16xf32>,
    %gather3A_99 = arith.constant 0 : i32
    %gather3A_100 = tpu.memref_slice %arg13[%gather3A_99] : memref<256xf32, #tpu.memory_space<vmem>> -> memref<16xf32, #tpu.memory_space<vmem>>
    %gather3A_101 = tpu.vector_load_idx %gather3A_100[%xor3A_95] : memref<16xf32, #tpu.memory_space<vmem>>[vector<16xi32>], vector<16xf32>,
    %gt3A_102 = arith.cmpf ogt, %gather3A_98, %select_n3A_87 : vector<16xf32>
    %eq3A_103 = arith.cmpf oeq, %gather3A_98, %select_n3A_87 : vector<16xf32>
    %lt3A_104 = arith.cmpf olt, %gather3A_101, %select_n3A_88 : vector<16xf32>
    %and3A_105 = arith.andi %eq3A_103, %lt3A_104 : vector<16xi1>
    %or3A_106 = arith.ori %gt3A_102, %and3A_105 : vector<16xi1>
    %select_n3A_107 = arith.select %or3A_106, %gather3A_98, %select_n3A_87 : vector<16xi1>, vector<16xf32>
    %select_n3A_108 = arith.select %or3A_106, %gather3A_101, %select_n3A_88 : vector<16xi1>, vector<16xf32>
    %swap3A_109 = arith.constant 0 : index
    %swap3A_110 = tpu.vector_load %arg12[%swap3A_109] {strides = array<i32>} : memref<256xf32, #tpu.memory_space<vmem>>, vector<16xf32>,
    tpu.vector_store %arg12[%swap3A_109], %select_n3A_107 {strides = array<i32>} : memref<256xf32, #tpu.memory_space<vmem>>, vector<16xf32>,
    %swap3A_111 = arith.constant 0 : index
    %swap3A_112 = tpu.vector_load %arg13[%swap3A_111] {strides = array<i32>} : memref<256xf32, #tpu.memory_space<vmem>>, vector<16xf32>,
    tpu.vector_store %arg13[%swap3A_111], %select_n3A_108 {strides = array<i32>} : memref<256xf32, #tpu.memory_space<vmem>>, vector<16xf32>,
    %xor3A_113 = arith.constant 8 : i32
    %xor3A_114 = vector.broadcast %xor3A_113 : i32 to vector<16xi32>
    %xor3A_115 = arith.xori %iota3A_54, %xor3A_114 : vector<16xi32>
    %gather3A_116 = arith.constant 0 : i32
    %gather3A_117 = tpu.memref_slice %arg12[%gather3A_116] : memref<256xf32, #tpu.memory_space<vmem>> -> memref<16xf32, #tpu.memory_space<vmem>>
    %gather3A_118 = tpu.vector_load_idx %gather3A_117[%xor3A_115] : memref<16xf32, #tpu.memory_space<vmem>>[vector<16xi32>], vector<16xf32>,
    %gather3A_119 = arith.constant 0 : i32
    %gather3A_120 = tpu.memref_slice %arg13[%gather3A_119] : memref<256xf32, #tpu.memory_space<vmem>> -> memref<16xf32, #tpu.memory_space<vmem>>
    %gather3A_121 = tpu.vector_load_idx %gather3A_120[%xor3A_115] : memref<16xf32, #tpu.memory_space<vmem>>[vector<16xi32>], vector<16xf32>,
    %gt3A_122 = arith.cmpf ogt, %gather3A_118, %select_n3A_107 : vector<16xf32>
    %eq3A_123 = arith.cmpf oeq, %gather3A_118, %select_n3A_107 : vector<16xf32>
    %lt3A_124 = arith.cmpf olt, %gather3A_121, %select_n3A_108 : vector<16xf32>
    %and3A_125 = arith.andi %eq3A_123, %lt3A_124 : vector<16xi1>
    %or3A_126 = arith.ori %gt3A_122, %and3A_125 : vector<16xi1>
    %select_n3A_127 = arith.select %or3A_126, %gather3A_118, %select_n3A_107 : vector<16xi1>, vector<16xf32>
    %select_n3A_128 = arith.select %or3A_126, %gather3A_121, %select_n3A_108 : vector<16xi1>, vector<16xf32>
    %convert_element_type3A_129 = arith.fptosi %select_n3A_128 : vector<16xf32> to vector<16xi32>
    %eq3A_130 = arith.constant 0 : i32
    %eq3A_131 = arith.cmpi eq, %arg1, %eq3A_130 : i32
    %eq3A_132 = arith.constant 0 : i32
    %eq3A_133 = arith.cmpi eq, %arg0, %eq3A_132 : i32
    %and3A_134 = arith.andi %eq3A_131, %eq3A_133 : i1
    %convert_element_type3A_135 = arith.extui %and3A_134 : i1 to i32
    %cond3A = arith.constant 0 : i32
    %cond3A_136 = arith.cmpi ne, %convert_element_type3A_135, %cond3A : i32
    scf.if %cond3A_136 {
      %swap3A_158 = arith.constant 0 : index
      %swap3A_159 = tpu.vector_load %arg14[%swap3A_158] {strides = array<i32>} : memref<16xi32, #tpu.memory_space<vmem>>, vector<16xi32>,
      tpu.vector_store %arg14[%swap3A_158], %convert_element_type3A_129 {strides = array<i32>} : memref<16xi32, #tpu.memory_space<vmem>>, vector<16xi32>,
      "tpu.region"() ({
        %run_scoped3A = tpu.sem_alloc : memref<!tpu.dma_semaphore, #tpu.memory_space<semaphore_mem>>
        tpu.enqueue_dma source(%arg14 : memref<16xi32, #tpu.memory_space<vmem>>) target(%arg6 : memref<16xi32, #tpu.memory_space<hbm>>) target_semaphore(%run_scoped3A : memref<!tpu.dma_semaphore, #tpu.memory_space<semaphore_mem>>)
        tpu.wait_dma2 semaphore(%run_scoped3A : memref<!tpu.dma_semaphore, #tpu.memory_space<semaphore_mem>>) src(%arg14 : memref<16xi32, #tpu.memory_space<vmem>>) dst(%arg6 : memref<16xi32, #tpu.memory_space<hbm>>)
        tpu.yield
      }) : () -> ()
    } else {
    }
    %dma_wait3A = arith.constant 0 : i32
    %dma_wait3A_137 = tpu.memref_slice %arg2[%dma_wait3A, %mul3A_10] : memref<2x320000xi32, #tpu.memory_space<hbm>> -> memref<2x10240xi32, #tpu.memory_space<hbm>>
    %dma_wait3A_138 = arith.constant 0 : i32
    %dma_wait3A_139 = tpu.memref_slice %arg2[%dma_wait3A_138, %mul3A_10] : memref<2x320000xi32, #tpu.memory_space<hbm>> -> memref<2x10240xi32, #tpu.memory_space<hbm>>
    tpu.wait_dma2 semaphore(%arg17 : memref<!tpu.dma_semaphore, #tpu.memory_space<semaphore_mem>>) src(%dma_wait3A_139 : memref<2x10240xi32, #tpu.memory_space<hbm>>) dst(%arg7 : memref<2x10240xi32, #tpu.memory_space<vmem>>)
    %mul3A_140 = arith.constant 16 : i32
    %mul3A_141 = arith.muli %select_n3A_8, %mul3A_140 : i32
    %parallel_loop3A_142 = arith.constant 0 : i32
    %parallel_loop3A_143 = arith.constant 10240 : i32
    %parallel_loop3A_144 = arith.constant 16 : i32
    scf.for %parallel_loop3A_158 = %parallel_loop3A_142 to %parallel_loop3A_143 step %parallel_loop3A_144  : i32 {
      %parallel_loop3A_159 = arith.constant 0 : i32
      %parallel_loop3A_160 = arith.index_cast %parallel_loop3A_159 : i32 to index
      %parallel_loop3A_161 = arith.index_cast %parallel_loop3A_158 : i32 to index
      %parallel_loop3A_162 = tpu.vector_load %arg7[%parallel_loop3A_160, %parallel_loop3A_161] {strides = array<i32>} : memref<2x10240xi32, #tpu.memory_space<vmem>>, vector<16xi32>,
      %parallel_loop3A_163 = arith.index_cast %parallel_loop3A_158 : i32 to index
      %parallel_loop3A_164 = tpu.vector_load %arg8[%parallel_loop3A_163] {strides = array<i32>} : memref<10240xi32, #tpu.memory_space<vmem>>, vector<16xi32>,
      tpu.vector_store %arg8[%parallel_loop3A_163], %parallel_loop3A_162 {strides = array<i32>} : memref<10240xi32, #tpu.memory_space<vmem>>, vector<16xi32>,
      %parallel_loop3A_165 = arith.constant 1 : i32
      %parallel_loop3A_166 = arith.index_cast %parallel_loop3A_165 : i32 to index
      %parallel_loop3A_167 = arith.index_cast %parallel_loop3A_158 : i32 to index
      %parallel_loop3A_168 = tpu.vector_load %arg7[%parallel_loop3A_166, %parallel_loop3A_167] {strides = array<i32>} : memref<2x10240xi32, #tpu.memory_space<vmem>>, vector<16xi32>,
      %parallel_loop3A_169 = arith.cmpi eq, %parallel_loop3A_168, %convert_element_type3A_129 : vector<16xi32>
      %parallel_loop3A_170 = arith.cmpi slt, %parallel_loop3A_158, %mul3A_141 : i32
      %parallel_loop3A_171 = vector.broadcast %parallel_loop3A_170 : i1 to vector<16xi1>
      %parallel_loop3A_172 = arith.andi %parallel_loop3A_169, %parallel_loop3A_171 : vector<16xi1>
      %parallel_loop3A_173 = arith.constant 1.000000e+00 : f32
      %parallel_loop3A_174 = arith.constant 0.000000e+00 : f32
      %parallel_loop3A_175 = vector.broadcast %parallel_loop3A_173 : f32 to vector<16xf32>
      %parallel_loop3A_176 = vector.broadcast %parallel_loop3A_174 : f32 to vector<16xf32>
      %parallel_loop3A_177 = arith.select %parallel_loop3A_172, %parallel_loop3A_175, %parallel_loop3A_176 : vector<16xi1>, vector<16xf32>
      %parallel_loop3A_178 = arith.index_cast %parallel_loop3A_158 : i32 to index
      %parallel_loop3A_179 = tpu.vector_load %arg9[%parallel_loop3A_178] {strides = array<i32>} : memref<10240xf32, #tpu.memory_space<vmem>>, vector<16xf32>,
      tpu.vector_store %arg9[%parallel_loop3A_178], %parallel_loop3A_177 {strides = array<i32>} : memref<10240xf32, #tpu.memory_space<vmem>>, vector<16xf32>,
    } {sc.loop_unroll_factor = 8 : i64, sc.parallel_access}
    "tpu.region"() ({
      %run_scoped3A = tpu.sem_alloc : memref<!tpu.dma_semaphore, #tpu.memory_space<semaphore_mem>>
      %dma_start3A_158 = arith.constant 0 : i32
      %dma_start3A_159 = tpu.memref_slice %arg15[%dma_start3A_158] : memref<10240xf32, #tpu.memory_space<vmem_shared>> -> memref<10240xf32, #tpu.memory_space<vmem_shared>>
      tpu.enqueue_indirect_dma source(%arg9 : memref<10240xf32, #tpu.memory_space<vmem>>) target(%dma_start3A_159 : memref<10240xf32, #tpu.memory_space<vmem_shared>>) offsets(%arg8 : memref<10240xi32, #tpu.memory_space<vmem>>) semaphore(%run_scoped3A : memref<!tpu.dma_semaphore, #tpu.memory_space<semaphore_mem>>) {add = true}
      %dma_wait3A_160 = arith.constant 0 : i32
      %dma_wait3A_161 = tpu.memref_slice %arg15[%dma_wait3A_160] : memref<10240xf32, #tpu.memory_space<vmem_shared>> -> memref<10240xf32, #tpu.memory_space<vmem_shared>>
      tpu.wait_indirect_dma semaphore(%run_scoped3A : memref<!tpu.dma_semaphore, #tpu.memory_space<semaphore_mem>>) src(%arg9 : memref<10240xf32, #tpu.memory_space<vmem>>) dst(%dma_wait3A_161 : memref<10240xf32, #tpu.memory_space<vmem_shared>>)
      tpu.yield
    }) : () -> ()
    %barrier3A_145 = arith.constant 0 : index
    tpu.barrier barrier_id(%barrier3A_145)
    %mul3A_146 = arith.constant 640 : i32
    %mul3A_147 = arith.muli %arg1, %mul3A_146 : i32
    "tpu.region"() ({
      %run_scoped3A = tpu.sem_alloc : memref<!tpu.dma_semaphore, #tpu.memory_space<semaphore_mem>>
      %dma_start3A_158 = tpu.memref_slice %arg15[%mul3A_147] : memref<10240xf32, #tpu.memory_space<vmem_shared>> -> memref<640xf32, #tpu.memory_space<vmem_shared>>
      %dma_start3A_159 = tpu.memref_slice %arg15[%mul3A_147] : memref<10240xf32, #tpu.memory_space<vmem_shared>> -> memref<640xf32, #tpu.memory_space<vmem_shared>>
      tpu.enqueue_dma source(%dma_start3A_159 : memref<640xf32, #tpu.memory_space<vmem_shared>>) target(%arg10 : memref<640xf32, #tpu.memory_space<vmem>>) target_semaphore(%run_scoped3A : memref<!tpu.dma_semaphore, #tpu.memory_space<semaphore_mem>>)
      %dma_wait3A_160 = tpu.memref_slice %arg15[%mul3A_147] : memref<10240xf32, #tpu.memory_space<vmem_shared>> -> memref<640xf32, #tpu.memory_space<vmem_shared>>
      %dma_wait3A_161 = tpu.memref_slice %arg15[%mul3A_147] : memref<10240xf32, #tpu.memory_space<vmem_shared>> -> memref<640xf32, #tpu.memory_space<vmem_shared>>
      tpu.wait_dma2 semaphore(%run_scoped3A : memref<!tpu.dma_semaphore, #tpu.memory_space<semaphore_mem>>) src(%dma_wait3A_161 : memref<640xf32, #tpu.memory_space<vmem_shared>>) dst(%arg10 : memref<640xf32, #tpu.memory_space<vmem>>)
      tpu.yield
    }) : () -> ()
    %eq3A_148 = arith.constant 0 : i32
    %eq3A_149 = arith.cmpi eq, %arg0, %eq3A_148 : i32
    %convert_element_type3A_150 = arith.extui %eq3A_149 : i1 to i32
    %cond3A_151 = arith.constant 0 : i32
    %cond3A_152 = arith.cmpi ne, %convert_element_type3A_150, %cond3A_151 : i32
    scf.if %cond3A_152 {
      "tpu.region"() ({
        %run_scoped3A = tpu.sem_alloc : memref<!tpu.dma_semaphore, #tpu.memory_space<semaphore_mem>>
        %dma_start3A_158 = tpu.memref_slice %arg4[%mul3A_147] : memref<10240xf32, #tpu.memory_space<hbm>> -> memref<640xf32, #tpu.memory_space<hbm>>
        %dma_start3A_159 = tpu.memref_slice %arg4[%mul3A_147] : memref<10240xf32, #tpu.memory_space<hbm>> -> memref<640xf32, #tpu.memory_space<hbm>>
        tpu.enqueue_dma source(%arg10 : memref<640xf32, #tpu.memory_space<vmem>>) target(%dma_start3A_159 : memref<640xf32, #tpu.memory_space<hbm>>) target_semaphore(%run_scoped3A : memref<!tpu.dma_semaphore, #tpu.memory_space<semaphore_mem>>)
        %dma_wait3A_160 = tpu.memref_slice %arg4[%mul3A_147] : memref<10240xf32, #tpu.memory_space<hbm>> -> memref<640xf32, #tpu.memory_space<hbm>>
        %dma_wait3A_161 = tpu.memref_slice %arg4[%mul3A_147] : memref<10240xf32, #tpu.memory_space<hbm>> -> memref<640xf32, #tpu.memory_space<hbm>>
        tpu.wait_dma2 semaphore(%run_scoped3A : memref<!tpu.dma_semaphore, #tpu.memory_space<semaphore_mem>>) src(%arg10 : memref<640xf32, #tpu.memory_space<vmem>>) dst(%dma_wait3A_161 : memref<640xf32, #tpu.memory_space<hbm>>)
        tpu.yield
      }) : () -> ()
    } else {
    }
    %eq3A_153 = arith.constant 1 : i32
    %eq3A_154 = arith.cmpi eq, %arg0, %eq3A_153 : i32
    %convert_element_type3A_155 = arith.extui %eq3A_154 : i1 to i32
    %cond3A_156 = arith.constant 0 : i32
    %cond3A_157 = arith.cmpi ne, %convert_element_type3A_155, %cond3A_156 : i32
    scf.if %cond3A_157 {
      "tpu.region"() ({
        %run_scoped3A = tpu.sem_alloc : memref<!tpu.dma_semaphore, #tpu.memory_space<semaphore_mem>>
        %dma_start3A_158 = tpu.memref_slice %arg5[%mul3A_147] : memref<10240xf32, #tpu.memory_space<hbm>> -> memref<640xf32, #tpu.memory_space<hbm>>
        %dma_start3A_159 = tpu.memref_slice %arg5[%mul3A_147] : memref<10240xf32, #tpu.memory_space<hbm>> -> memref<640xf32, #tpu.memory_space<hbm>>
        tpu.enqueue_dma source(%arg10 : memref<640xf32, #tpu.memory_space<vmem>>) target(%dma_start3A_159 : memref<640xf32, #tpu.memory_space<hbm>>) target_semaphore(%run_scoped3A : memref<!tpu.dma_semaphore, #tpu.memory_space<semaphore_mem>>)
        %dma_wait3A_160 = tpu.memref_slice %arg5[%mul3A_147] : memref<10240xf32, #tpu.memory_space<hbm>> -> memref<640xf32, #tpu.memory_space<hbm>>
        %dma_wait3A_161 = tpu.memref_slice %arg5[%mul3A_147] : memref<10240xf32, #tpu.memory_space<hbm>> -> memref<640xf32, #tpu.memory_space<hbm>>
        tpu.wait_dma2 semaphore(%run_scoped3A : memref<!tpu.dma_semaphore, #tpu.memory_space<semaphore_mem>>) src(%arg10 : memref<640xf32, #tpu.memory_space<vmem>>) dst(%dma_wait3A_161 : memref<640xf32, #tpu.memory_space<hbm>>)
        tpu.yield
      }) : () -> ()
    } else {
    }
    return
  }
}

#map = affine_map<(d0, d1) -> (0, 0)>
#map1 = affine_map<(d0, d1) -> (0)>
module attributes {stable_mosaic.version = 14 : i64} {
  func.func @_sc1_body(%arg0: i32, %arg1: i32, %arg2: memref<2x320000xi32, #tpu.memory_space<hbm>>, %arg3: memref<20480xf32, #tpu.memory_space<hbm>>, %arg4: memref<2x10240xi32, #tpu.memory_space<vmem>>, %arg5: memref<10240xi32, #tpu.memory_space<vmem>>, %arg6: memref<10240xf32, #tpu.memory_space<vmem>>, %arg7: memref<640xf32, #tpu.memory_space<vmem>>, %arg8: memref<10240xf32, #tpu.memory_space<vmem_shared>>, %arg9: memref<!tpu.dma_semaphore, #tpu.memory_space<semaphore_mem>>) attributes {dimension_semantics = [#tpu.dimension_semantics<core_parallel>, #tpu.dimension_semantics<subcore_parallel>], iteration_bounds = array<i64: 2, 16>, scalar_prefetch = 0 : i64, scratch_operands = 6 : i64, tpu.core_type = #tpu.core_type<sc_vector_subcore>, window_params = [{transform_indices = #map}, {transform_indices = #map1}]} {
    %mul3A = arith.constant 39 : i32
    %mul3A_0 = arith.muli %arg1, %mul3A : i32
    %mul3A_1 = arith.constant 20 : i32
    %mul3A_2 = arith.muli %arg0, %mul3A_1 : i32
    %add3A = arith.addi %mul3A_0, %mul3A_2 : i32
    %eq3A = arith.constant 0 : i32
    %eq3A_3 = arith.cmpi eq, %arg0, %eq3A : i32
    %eq3A_4 = arith.constant 15 : i32
    %eq3A_5 = arith.cmpi eq, %arg1, %eq3A_4 : i32
    %jit3A = arith.constant 640 : i32
    %jit3A_6 = arith.constant 608 : i32
    %select_n3A = arith.select %eq3A_5, %jit3A, %jit3A_6 : i32
    %jit3A_7 = arith.constant 640 : i32
    %select_n3A_8 = arith.select %eq3A_3, %jit3A_7, %select_n3A : i32
    %mul3A_9 = arith.constant 512 : i32
    %mul3A_10 = arith.muli %add3A, %mul3A_9 : i32
    %dma_start3A = arith.constant 0 : i32
    %dma_start3A_11 = tpu.memref_slice %arg2[%dma_start3A, %mul3A_10] : memref<2x320000xi32, #tpu.memory_space<hbm>> -> memref<2x10240xi32, #tpu.memory_space<hbm>>
    %dma_start3A_12 = arith.constant 0 : i32
    %dma_start3A_13 = tpu.memref_slice %arg2[%dma_start3A_12, %mul3A_10] : memref<2x320000xi32, #tpu.memory_space<hbm>> -> memref<2x10240xi32, #tpu.memory_space<hbm>>
    tpu.enqueue_dma source(%dma_start3A_13 : memref<2x10240xi32, #tpu.memory_space<hbm>>) target(%arg4 : memref<2x10240xi32, #tpu.memory_space<vmem>>) target_semaphore(%arg9 : memref<!tpu.dma_semaphore, #tpu.memory_space<semaphore_mem>>)
    %broadcast_in_dim3A = arith.constant 0.000000e+00 : f32
    %broadcast_in_dim3A_14 = vector.broadcast %broadcast_in_dim3A : f32 to vector<16xf32>
    %parallel_loop3A = arith.constant 0 : i32
    %parallel_loop3A_15 = arith.constant 640 : i32
    %parallel_loop3A_16 = arith.constant 16 : i32
    scf.for %parallel_loop3A_36 = %parallel_loop3A to %parallel_loop3A_15 step %parallel_loop3A_16  : i32 {
      %parallel_loop3A_37 = arith.index_cast %parallel_loop3A_36 : i32 to index
      %parallel_loop3A_38 = tpu.vector_load %arg7[%parallel_loop3A_37] {strides = array<i32>} : memref<640xf32, #tpu.memory_space<vmem>>, vector<16xf32>,
      tpu.vector_store %arg7[%parallel_loop3A_37], %broadcast_in_dim3A_14 {strides = array<i32>} : memref<640xf32, #tpu.memory_space<vmem>>, vector<16xf32>,
    } {sc.loop_unroll_factor = 8 : i64, sc.parallel_access}
    %mul3A_17 = arith.constant 640 : i32
    %mul3A_18 = arith.muli %arg1, %mul3A_17 : i32
    "tpu.region"() ({
      %run_scoped3A = tpu.sem_alloc : memref<!tpu.dma_semaphore, #tpu.memory_space<semaphore_mem>>
      %dma_start3A_36 = tpu.memref_slice %arg8[%mul3A_18] : memref<10240xf32, #tpu.memory_space<vmem_shared>> -> memref<640xf32, #tpu.memory_space<vmem_shared>>
      %dma_start3A_37 = tpu.memref_slice %arg8[%mul3A_18] : memref<10240xf32, #tpu.memory_space<vmem_shared>> -> memref<640xf32, #tpu.memory_space<vmem_shared>>
      tpu.enqueue_dma source(%arg7 : memref<640xf32, #tpu.memory_space<vmem>>) target(%dma_start3A_37 : memref<640xf32, #tpu.memory_space<vmem_shared>>) target_semaphore(%run_scoped3A : memref<!tpu.dma_semaphore, #tpu.memory_space<semaphore_mem>>)
      %dma_wait3A_38 = tpu.memref_slice %arg8[%mul3A_18] : memref<10240xf32, #tpu.memory_space<vmem_shared>> -> memref<640xf32, #tpu.memory_space<vmem_shared>>
      %dma_wait3A_39 = tpu.memref_slice %arg8[%mul3A_18] : memref<10240xf32, #tpu.memory_space<vmem_shared>> -> memref<640xf32, #tpu.memory_space<vmem_shared>>
      tpu.wait_dma2 semaphore(%run_scoped3A : memref<!tpu.dma_semaphore, #tpu.memory_space<semaphore_mem>>) src(%arg7 : memref<640xf32, #tpu.memory_space<vmem>>) dst(%dma_wait3A_39 : memref<640xf32, #tpu.memory_space<vmem_shared>>)
      tpu.yield
    }) : () -> ()
    %mul3A_19 = arith.constant 16 : i32
    %mul3A_20 = arith.muli %select_n3A_8, %mul3A_19 : i32
    %parallel_loop3A_21 = arith.constant 0 : i32
    %parallel_loop3A_22 = arith.constant 10240 : i32
    %parallel_loop3A_23 = arith.constant 16 : i32
    scf.for %parallel_loop3A_36 = %parallel_loop3A_21 to %parallel_loop3A_22 step %parallel_loop3A_23  : i32 {
      %parallel_loop3A_37 = arith.cmpi slt, %parallel_loop3A_36, %mul3A_20 : i32
      %parallel_loop3A_38 = arith.constant 1.000000e+00 : f32
      %parallel_loop3A_39 = arith.constant 0.000000e+00 : f32
      %parallel_loop3A_40 = arith.select %parallel_loop3A_37, %parallel_loop3A_38, %parallel_loop3A_39 : f32
      %parallel_loop3A_41 = arith.constant 0.000000e+00 : f32
      %parallel_loop3A_42 = vector.broadcast %parallel_loop3A_41 : f32 to vector<16xf32>
      %parallel_loop3A_43 = vector.broadcast %parallel_loop3A_40 : f32 to vector<16xf32>
      %parallel_loop3A_44 = arith.addf %parallel_loop3A_43, %parallel_loop3A_42 : vector<16xf32>
      %parallel_loop3A_45 = arith.index_cast %parallel_loop3A_36 : i32 to index
      %parallel_loop3A_46 = tpu.vector_load %arg6[%parallel_loop3A_45] {strides = array<i32>} : memref<10240xf32, #tpu.memory_space<vmem>>, vector<16xf32>,
      tpu.vector_store %arg6[%parallel_loop3A_45], %parallel_loop3A_44 {strides = array<i32>} : memref<10240xf32, #tpu.memory_space<vmem>>, vector<16xf32>,
    } {sc.loop_unroll_factor = 8 : i64, sc.parallel_access}
    %dma_wait3A = arith.constant 0 : i32
    %dma_wait3A_24 = tpu.memref_slice %arg2[%dma_wait3A, %mul3A_10] : memref<2x320000xi32, #tpu.memory_space<hbm>> -> memref<2x10240xi32, #tpu.memory_space<hbm>>
    %dma_wait3A_25 = arith.constant 0 : i32
    %dma_wait3A_26 = tpu.memref_slice %arg2[%dma_wait3A_25, %mul3A_10] : memref<2x320000xi32, #tpu.memory_space<hbm>> -> memref<2x10240xi32, #tpu.memory_space<hbm>>
    tpu.wait_dma2 semaphore(%arg9 : memref<!tpu.dma_semaphore, #tpu.memory_space<semaphore_mem>>) src(%dma_wait3A_26 : memref<2x10240xi32, #tpu.memory_space<hbm>>) dst(%arg4 : memref<2x10240xi32, #tpu.memory_space<vmem>>)
    %parallel_loop3A_27 = arith.constant 0 : i32
    %parallel_loop3A_28 = arith.constant 10240 : i32
    %parallel_loop3A_29 = arith.constant 16 : i32
    scf.for %parallel_loop3A_36 = %parallel_loop3A_27 to %parallel_loop3A_28 step %parallel_loop3A_29  : i32 {
      %parallel_loop3A_37 = arith.constant 0 : i32
      %parallel_loop3A_38 = arith.index_cast %parallel_loop3A_37 : i32 to index
      %parallel_loop3A_39 = arith.index_cast %parallel_loop3A_36 : i32 to index
      %parallel_loop3A_40 = tpu.vector_load %arg4[%parallel_loop3A_38, %parallel_loop3A_39] {strides = array<i32>} : memref<2x10240xi32, #tpu.memory_space<vmem>>, vector<16xi32>,
      %parallel_loop3A_41 = arith.index_cast %parallel_loop3A_36 : i32 to index
      %parallel_loop3A_42 = tpu.vector_load %arg5[%parallel_loop3A_41] {strides = array<i32>} : memref<10240xi32, #tpu.memory_space<vmem>>, vector<16xi32>,
      tpu.vector_store %arg5[%parallel_loop3A_41], %parallel_loop3A_40 {strides = array<i32>} : memref<10240xi32, #tpu.memory_space<vmem>>, vector<16xi32>,
    } {sc.loop_unroll_factor = 8 : i64, sc.parallel_access}
    %barrier3A = arith.constant 0 : index
    tpu.barrier barrier_id(%barrier3A)
    "tpu.region"() ({
      %run_scoped3A = tpu.sem_alloc : memref<!tpu.dma_semaphore, #tpu.memory_space<semaphore_mem>>
      %dma_start3A_36 = arith.constant 0 : i32
      %dma_start3A_37 = tpu.memref_slice %arg8[%dma_start3A_36] : memref<10240xf32, #tpu.memory_space<vmem_shared>> -> memref<10240xf32, #tpu.memory_space<vmem_shared>>
      tpu.enqueue_indirect_dma source(%arg6 : memref<10240xf32, #tpu.memory_space<vmem>>) target(%dma_start3A_37 : memref<10240xf32, #tpu.memory_space<vmem_shared>>) offsets(%arg5 : memref<10240xi32, #tpu.memory_space<vmem>>) semaphore(%run_scoped3A : memref<!tpu.dma_semaphore, #tpu.memory_space<semaphore_mem>>) {add = true}
      %dma_wait3A_38 = arith.constant 0 : i32
      %dma_wait3A_39 = tpu.memref_slice %arg8[%dma_wait3A_38] : memref<10240xf32, #tpu.memory_space<vmem_shared>> -> memref<10240xf32, #tpu.memory_space<vmem_shared>>
      tpu.wait_indirect_dma semaphore(%run_scoped3A : memref<!tpu.dma_semaphore, #tpu.memory_space<semaphore_mem>>) src(%arg6 : memref<10240xf32, #tpu.memory_space<vmem>>) dst(%dma_wait3A_39 : memref<10240xf32, #tpu.memory_space<vmem_shared>>)
      tpu.yield
    }) : () -> ()
    %barrier3A_30 = arith.constant 0 : index
    tpu.barrier barrier_id(%barrier3A_30)
    %mul3A_31 = arith.constant 640 : i32
    %mul3A_32 = arith.muli %arg1, %mul3A_31 : i32
    "tpu.region"() ({
      %run_scoped3A = tpu.sem_alloc : memref<!tpu.dma_semaphore, #tpu.memory_space<semaphore_mem>>
      %dma_start3A_36 = tpu.memref_slice %arg8[%mul3A_32] : memref<10240xf32, #tpu.memory_space<vmem_shared>> -> memref<640xf32, #tpu.memory_space<vmem_shared>>
      %dma_start3A_37 = tpu.memref_slice %arg8[%mul3A_32] : memref<10240xf32, #tpu.memory_space<vmem_shared>> -> memref<640xf32, #tpu.memory_space<vmem_shared>>
      tpu.enqueue_dma source(%dma_start3A_37 : memref<640xf32, #tpu.memory_space<vmem_shared>>) target(%arg7 : memref<640xf32, #tpu.memory_space<vmem>>) target_semaphore(%run_scoped3A : memref<!tpu.dma_semaphore, #tpu.memory_space<semaphore_mem>>)
      %dma_wait3A_38 = tpu.memref_slice %arg8[%mul3A_32] : memref<10240xf32, #tpu.memory_space<vmem_shared>> -> memref<640xf32, #tpu.memory_space<vmem_shared>>
      %dma_wait3A_39 = tpu.memref_slice %arg8[%mul3A_32] : memref<10240xf32, #tpu.memory_space<vmem_shared>> -> memref<640xf32, #tpu.memory_space<vmem_shared>>
      tpu.wait_dma2 semaphore(%run_scoped3A : memref<!tpu.dma_semaphore, #tpu.memory_space<semaphore_mem>>) src(%dma_wait3A_39 : memref<640xf32, #tpu.memory_space<vmem_shared>>) dst(%arg7 : memref<640xf32, #tpu.memory_space<vmem>>)
      tpu.yield
    }) : () -> ()
    %mul3A_33 = arith.constant 10240 : i32
    %mul3A_34 = arith.muli %arg0, %mul3A_33 : i32
    %add3A_35 = arith.addi %mul3A_34, %mul3A_32 : i32
    "tpu.region"() ({
      %run_scoped3A = tpu.sem_alloc : memref<!tpu.dma_semaphore, #tpu.memory_space<semaphore_mem>>
      %dma_start3A_36 = tpu.memref_slice %arg3[%add3A_35] : memref<20480xf32, #tpu.memory_space<hbm>> -> memref<640xf32, #tpu.memory_space<hbm>>
      %dma_start3A_37 = tpu.memref_slice %arg3[%add3A_35] : memref<20480xf32, #tpu.memory_space<hbm>> -> memref<640xf32, #tpu.memory_space<hbm>>
      tpu.enqueue_dma source(%arg7 : memref<640xf32, #tpu.memory_space<vmem>>) target(%dma_start3A_37 : memref<640xf32, #tpu.memory_space<hbm>>) target_semaphore(%run_scoped3A : memref<!tpu.dma_semaphore, #tpu.memory_space<semaphore_mem>>)
      %dma_wait3A_38 = tpu.memref_slice %arg3[%add3A_35] : memref<20480xf32, #tpu.memory_space<hbm>> -> memref<640xf32, #tpu.memory_space<hbm>>
      %dma_wait3A_39 = tpu.memref_slice %arg3[%add3A_35] : memref<20480xf32, #tpu.memory_space<hbm>> -> memref<640xf32, #tpu.memory_space<hbm>>
      tpu.wait_dma2 semaphore(%run_scoped3A : memref<!tpu.dma_semaphore, #tpu.memory_space<semaphore_mem>>) src(%arg7 : memref<640xf32, #tpu.memory_space<vmem>>) dst(%dma_wait3A_39 : memref<640xf32, #tpu.memory_space<hbm>>)
      tpu.yield
    }) : () -> ()
    return
  }
}

module attributes {stable_mosaic.version = 14 : i64} {
  func.func @_tc_body(%arg0: i32, %arg1: memref<1xi32, #tpu.memory_space<smem>>, %arg2: memref<1x5120xf32, #tpu.memory_space<vmem>>, %arg3: memref<1x5120xf32, #tpu.memory_space<vmem>>, %arg4: memref<8x128xf32, #tpu.memory_space<vmem>>, %arg5: memref<128x128xf32, #tpu.memory_space<vmem>>, %arg6: memref<1x128xf32, #tpu.memory_space<vmem>>, %arg7: memref<5120x128xf32, #tpu.memory_space<vmem>>) attributes {dimension_semantics = [#tpu.dimension_semantics<arbitrary>], iteration_bounds = array<i64: 2>, scalar_prefetch = 1 : i64, scratch_operands = 0 : i64, tpu.core_type = #tpu.core_type<tc>, window_params = [{transform_indices = @transform_0, window_bounds = array<i64: 1, 5120>}, {transform_indices = @transform_1, window_bounds = array<i64: 1, 5120>}, {transform_indices = @transform_2, window_bounds = array<i64: 8, 128>}, {pipeline_mode = #tpu.pipeline_mode<synchronous>, transform_indices = @transform_3, window_bounds = array<i64: 128, 128>}, {pipeline_mode = #tpu.pipeline_mode<synchronous>, transform_indices = @transform_4, window_bounds = array<i64: 1, 128>}, {transform_indices = @transform_5, window_bounds = array<i64: 5120, 128>}]} {
    %get3A = arith.constant 0 : index
    %get3A_0 = arith.constant 0 : index
    %get3A_1 = vector.load %arg4[%get3A, %get3A_0] : memref<8x128xf32, #tpu.memory_space<vmem>>, vector<8x128xf32>
    %get3A_2 = arith.constant 0 : index
    %get3A_3 = arith.constant 0 : index
    %get3A_4 = vector.load %arg5[%get3A_2, %get3A_3] : memref<128x128xf32, #tpu.memory_space<vmem>>, vector<128x128xf32>
    %dot_general3A = arith.constant dense<0.000000e+00> : vector<8x128xf32>
    %dot_general3A_5 = tpu.matmul %get3A_1, %get3A_4, %dot_general3A {dimension_numbers = #tpu.dot_dimension_numbers<[1], [1], [0], [0], [0, 0, 1, 0], [], []>, transpose_lhs_hint = false} : vector<8x128xf32>, vector<128x128xf32>, vector<8x128xf32> -> vector<8x128xf32>
    %get3A_6 = arith.constant 0 : index
    %get3A_7 = memref.load %arg1[%get3A_6] : memref<1xi32, #tpu.memory_space<smem>>
    %jit3A = arith.constant 8 : i32
    %eq3A = arith.constant 0 : i32
    %eq3A_8 = arith.cmpi eq, %jit3A, %eq3A : i32
    %jit3A_9 = arith.constant 1 : i32
    %select_n3A = arith.select %eq3A_8, %jit3A_9, %jit3A : i32
    %rem3A = arith.remsi %get3A_7, %select_n3A : i32
    %ne3A = arith.constant 0 : i32
    %ne3A_10 = arith.cmpi ne, %rem3A, %ne3A : i32
    %lt3A = arith.constant 0 : i32
    %lt3A_11 = arith.cmpi slt, %rem3A, %lt3A : i32
    %lt3A_12 = arith.constant 0 : i32
    %lt3A_13 = arith.cmpi slt, %select_n3A, %lt3A_12 : i32
    %ne3A_14 = arith.xori %lt3A_11, %lt3A_13 : i1
    %and3A = arith.andi %ne3A_14, %ne3A_10 : i1
    %add3A = arith.addi %rem3A, %select_n3A : i32
    %select_n3A_15 = arith.select %and3A, %add3A, %rem3A : i32
    %iota3A = tpu.iota {dimensions = array<i32: 0>} : vector<8x1xi32>
    %eq3A_16 = vector.broadcast %select_n3A_15 : i32 to vector<8x1xi32>
    %eq3A_17 = arith.cmpi eq, %iota3A, %eq3A_16 : vector<8x1xi32>
    %jit3A_18 = arith.constant 0.000000e+00 : f32
    %broadcast_in_dim3A = vector.shape_cast %eq3A_17 : vector<8x1xi1> to vector<8x1xi1>
    %broadcast_in_dim3A_19 = vector.broadcast %broadcast_in_dim3A : vector<8x1xi1> to vector<8x128xi1>
    %broadcast_in_dim3A_20 = vector.broadcast %jit3A_18 : f32 to vector<8x128xf32>
    %select_n3A_21 = arith.select %broadcast_in_dim3A_19, %dot_general3A_5, %broadcast_in_dim3A_20 : vector<8x128xi1>, vector<8x128xf32>
    %reduce_sum3A = arith.constant dense<0.000000e+00> : vector<128xf32>
    %reduce_sum3A_22 = vector.multi_reduction <add>, %select_n3A_21, %reduce_sum3A [0] : vector<8x128xf32> to vector<128xf32>
    %broadcast_in_dim3A_23 = vector.shape_cast %reduce_sum3A_22 : vector<128xf32> to vector<1x128xf32>
    %get3A_24 = arith.constant 0 : index
    %get3A_25 = arith.constant 0 : index
    %get3A_26 = vector.load %arg6[%get3A_24, %get3A_25] : memref<1x128xf32, #tpu.memory_space<vmem>>, vector<1x128xf32>
    %add3A_27 = arith.addf %broadcast_in_dim3A_23, %get3A_26 : vector<1x128xf32>
    %get3A_28 = arith.constant 0 : index
    %get3A_29 = arith.constant 0 : index
    %get3A_30 = vector.load %arg2[%get3A_28, %get3A_29] : memref<1x5120xf32, #tpu.memory_space<vmem>>, vector<1x5120xf32>
    %get3A_31 = arith.constant 0 : index
    %get3A_32 = arith.constant 0 : index
    %get3A_33 = vector.load %arg3[%get3A_31, %get3A_32] : memref<1x5120xf32, #tpu.memory_space<vmem>>, vector<1x5120xf32>
    %add3A_34 = arith.addf %get3A_30, %get3A_33 : vector<1x5120xf32>
    %dot_general3A_35 = arith.constant dense<0.000000e+00> : vector<5120x128xf32>
    %dot_general3A_36 = tpu.matmul %add3A_34, %add3A_27, %dot_general3A_35 {dimension_numbers = #tpu.dot_dimension_numbers<[0], [0], [1], [1], [0, 1, 1, 1], [], []>, transpose_lhs_hint = false} : vector<1x5120xf32>, vector<1x128xf32>, vector<5120x128xf32> -> vector<5120x128xf32>
    %swap3A = arith.constant 0 : index
    %swap3A_37 = arith.constant 0 : index
    %swap3A_38 = vector.load %arg7[%swap3A, %swap3A_37] : memref<5120x128xf32, #tpu.memory_space<vmem>>, vector<5120x128xf32>
    tpu.vector_store %arg7[%swap3A, %swap3A_37], %dot_general3A_36 {strides = array<i32>} : memref<5120x128xf32, #tpu.memory_space<vmem>>, vector<5120x128xf32>,
    return
  }
  func.func @transform_0(%arg0: i32, %arg1: memref<1xi32, #tpu.memory_space<smem>>) -> (i32, i32) {
    %c0_i32 = arith.constant 0 : i32
    %c0_i32_0 = arith.constant 0 : i32
    return %c0_i32, %arg0 : i32, i32
  }
  func.func @transform_1(%arg0: i32, %arg1: memref<1xi32, #tpu.memory_space<smem>>) -> (i32, i32) {
    %c0_i32 = arith.constant 0 : i32
    %c0_i32_0 = arith.constant 0 : i32
    return %c0_i32, %arg0 : i32, i32
  }
  func.func @transform_2(%arg0: i32, %arg1: memref<1xi32, #tpu.memory_space<smem>>) -> (i32, i32) {
    %get3A = arith.constant 0 : index
    %get3A_0 = memref.load %arg1[%get3A] : memref<1xi32, #tpu.memory_space<smem>>
    %jit3A = arith.constant 8 : i32
    %div3A = arith.divsi %get3A_0, %jit3A : i32
    %sign3A = arith.constant 0 : i32
    %sign3A_1 = arith.cmpi sgt, %get3A_0, %sign3A : i32
    %sign3A_2 = arith.extui %sign3A_1 : i1 to i32
    %sign3A_3 = arith.constant 0 : i32
    %sign3A_4 = arith.cmpi slt, %get3A_0, %sign3A_3 : i32
    %sign3A_5 = arith.extui %sign3A_4 : i1 to i32
    %sign3A_6 = arith.subi %sign3A_2, %sign3A_5 : i32
    %sign3A_7 = arith.constant 0 : i32
    %sign3A_8 = arith.cmpi sgt, %jit3A, %sign3A_7 : i32
    %sign3A_9 = arith.extui %sign3A_8 : i1 to i32
    %sign3A_10 = arith.constant 0 : i32
    %sign3A_11 = arith.cmpi slt, %jit3A, %sign3A_10 : i32
    %sign3A_12 = arith.extui %sign3A_11 : i1 to i32
    %sign3A_13 = arith.subi %sign3A_9, %sign3A_12 : i32
    %ne3A = arith.cmpi ne, %sign3A_6, %sign3A_13 : i32
    %rem3A = arith.remsi %get3A_0, %jit3A : i32
    %ne3A_14 = arith.constant 0 : i32
    %ne3A_15 = arith.cmpi ne, %rem3A, %ne3A_14 : i32
    %and3A = arith.andi %ne3A, %ne3A_15 : i1
    %sub3A = arith.constant 1 : i32
    %sub3A_16 = arith.subi %div3A, %sub3A : i32
    %select_n3A = arith.select %and3A, %sub3A_16, %div3A : i32
    %c0_i32 = arith.constant 0 : i32
    %c0_i32_17 = arith.constant 0 : i32
    return %select_n3A, %c0_i32 : i32, i32
  }
  func.func @transform_3(%arg0: i32, %arg1: memref<1xi32, #tpu.memory_space<smem>>) -> (i32, i32) {
    %c0_i32 = arith.constant 0 : i32
    %c0_i32_0 = arith.constant 0 : i32
    %c0_i32_1 = arith.constant 0 : i32
    return %c0_i32, %c0_i32_0 : i32, i32
  }
  func.func @transform_4(%arg0: i32, %arg1: memref<1xi32, #tpu.memory_space<smem>>) -> (i32, i32) {
    %c0_i32 = arith.constant 0 : i32
    %c0_i32_0 = arith.constant 0 : i32
    %c0_i32_1 = arith.constant 0 : i32
    return %c0_i32, %c0_i32_0 : i32, i32
  }
  func.func @transform_5(%arg0: i32, %arg1: memref<1xi32, #tpu.memory_space<smem>>) -> (i32, i32) {
    %c0_i32 = arith.constant 0 : i32
    %c0_i32_0 = arith.constant 0 : i32
    return %arg0, %c0_i32 : i32, i32
  }
}

</mosaic_0001>

<sc_bundles>
// kernel: kernel.5.cloned.1.call-start
scs
__scs_entry_jumppad:
0x0: {  	(pc) =	sbr.rel $0x88, $3  }
0x1: {  	(tag) =	ssettag $0x0;
	lr =	simm.s32 $0x1  }
0x2: {  	[smem:$0x3F9D] =	sst lr;
	_ =	strace $0xD0000000  }
0x3: {  	_ = 	snop  }
0x4: {  	_ = 	snop  }
0x5: {  	_ = 	snop  }
0x6: {  	_ = 	snop  }
0x7: {  	_ = 	snop  }
__scs_overlays_trampoline_lowered:
0x8: {  	[smem:$0x3FAC] =	sst s0  }
0x9: {  	[smem:$0x3FAD] =	sst s1  }
0xa: {  	[smem:$0x3FAE] =	sst s2  }
0xb: {  	[smem:$0x3FAF] =	sst s3  }
0xc: {  	[smem:$0x3FB0] =	sst s4  }
0xd: {  	[smem:$0x3FB1] =	sst s5  }
0xe: {  	[smem:$0x3FB2] =	sst s6  }
0xf: {  	[smem:$0x3FB3] =	sst s7  }
0x10: {  	[smem:$0x3FB4] =	sst s8  }
0x11: {  	[smem:$0x3FB5] =	sst s9;
	s0 =	simm.s32 @!p0 $0x0  }
0x12: {  	s1 =	sld [smem:$0x3F9B];
	s0 =	simm.s32 @p0 $0x1  }
0x13: {  	[smem:$0x3FB6] =	sst s0;
	s0 =	simm.s32 @!p1 $0x0  }
0x14: {  	s2 =	sld [smem:$0x3F9A];
	s0 =	simm.s32 @p1 $0x1  }
0x15: {  	[smem:$0x3FB7] =	sst s0;
	s0 =	simm.s32 @!p2 $0x0  }
0x16: {  	s3 =	sld [smem:$0x3FDB];
	s0 =	simm.s32 @p2 $0x1  }
0x17: {  	s4 =	simm.s32 $0x1BF5;
	[smem:$0x3FB9] =	sst s0  }
0x18: {  	s0 =	sld [smem:$0x3F9C];
	_ =	swait.ge [sflag:s4], $0x0  }
0x19: {  	s7 =	sld [smem:$0x3F9D]  }
0x1a: {  	s8 =	sadd.s32 $0xFFFFE003, lr  }
0x1b: {  	s9 =	sadd.s32 $0xFFFFFEF7, lr;
	s5 =	simm.s32 $0xFFFFFFFF;
	p2 =	slt.u32 s8, $0xFFFFF086  }
0x1c: {  	p1 =	slt.u32 s9, $0xF7A;
	s5 =	simm.s32 @!p2 $0x0  }
0x1d: {  	s5 =	simm.s32 @p1 $0x1;
	p0 =	seq.s32 s7, s2  }
0x1e: {  	s7 =	smul.u32 @!p0 $0xF7A, s2;
	p2 =	seq.s32 @!p0 s5, $0x0  }
0x1f: {  	s9 =	smul.u32 $0xF7A, s1;
	s8 =	simm.s32 @!p0 $0x1BF5;
	p2 =	por !p2, p0  }
0x20: {  	[sflag:s8] =	ssyncset.s32 @!p0 $0xFFFFF086;
	s6 =	sadd.s32 @!p0 s3, s7;
	s7 =	simm.s32 @!p0 $0x108  }
0x21: {  	s3 =	sadd.s32 s3, s9;
	s6 =	sadd.s32 @!p0 $0x88, s6;
	s7 =	simm.s32 @p2 $0x1082  }
0x22: {  	[simem:s7], [sflag:s8] =	dma.local @!p0 [hbm:s6], $0xF7A  }
0x23: {  	s9 =	sor.u32 $0xD0000000, s2;
	s6 =	simm.s32 $0x108;
	_ =	swait.ge @!p0 [sflag:s8], $0x0  }
0x24: {  	s3 =	sadd.s32 $0x88, s3;
	s6 =	simm.s32 @!p1 $0x1082;
	[sflag:s4] =	ssyncset.s32 $0xFFFFF086  }
0x25: {  	[simem:s6], [sflag:s4] =	dma.local [hbm:s3], $0xF7A  }
0x26: {  	[smem:$0x3F9D] =	sst s1;
	(tag) =	ssettag s2;
	_ =	strace s9  }
0x27: {  	s1 =	sld [smem:$0x3FAD]  }
0x28: {  	s2 =	sld [smem:$0x3FAE]  }
0x29: {  	s4 =	sld [smem:$0x3FB0]  }
0x2a: {  	p0 =	seq.s32 s5, $0x0;
	s5 =	sld [smem:$0x3FB1]  }
0x2b: {  	s6 =	sld [smem:$0x3FB2]  }
0x2c: {  	s7 =	sld [smem:$0x3FB3]  }
0x2d: {  	s3 =	simm.s32 $0x108;
	s8 =	sld [smem:$0x3FB4]  }
0x2e: {  	s3 =	simm.s32 @!p0 $0x1082;
	s9 =	sld [smem:$0x3FB5]  }
0x2f: {  	lr =	sadd.s32 s0, s3;
	s0 =	sld [smem:$0x3FAC]  }
0x30: {  	s3 =	sld [smem:$0x3FAF]  }
0x31: {  	[smem:$0x3FB8] =	sst s10  }
0x32: {  	s10 =	sld [smem:$0x3FB6];
	_ =	sdelay $0x3  }
0x33: {  	p0 =	seq.s32 s10, $0x1;
	s10 =	sld [smem:$0x3FB8];
	_ =	sdelay $0x3  }
0x34: {  	[smem:$0x3FB8] =	sst s10  }
0x35: {  	s10 =	sld [smem:$0x3FB7];
	_ =	sdelay $0x3  }
0x36: {  	p1 =	seq.s32 s10, $0x1;
	s10 =	sld [smem:$0x3FB8];
	_ =	sdelay $0x3  }
0x37: {  	[smem:$0x3FB8] =	sst s10  }
0x38: {  	s10 =	sld [smem:$0x3FB9]  }
0x39: {  	_ = 	snop;
	(pc) =	sbr.ind lr, $3  }
0x3a: {  	_ = 	snop  }
0x3b: {  	_ = 	snop  }
0x3c: {  	p2 =	seq.s32 s10, $0x1;
	s10 =	sld [smem:$0x3FB8]  }
0x3d: {  	_ =	shalt  }
0x3e: {  	_ =	shalt  }
0x3f: {  	_ =	shalt  }
0x40: {  	_ =	shalt  }
0x41: {  	_ =	shalt  }
0x42: {  	_ =	shalt  }
0x43: {  	_ =	shalt  }
0x44: {  	_ =	shalt  }
0x45: {  	_ =	shalt  }
0x46: {  	_ =	shalt  }
0x47: {  	_ =	shalt  }
0x48: {  	_ =	shalt  }
0x49: {  	_ =	shalt  }
0x4a: {  	_ =	shalt  }
0x4b: {  	_ =	shalt  }
0x4c: {  	_ =	shalt  }
0x4d: {  	_ =	shalt  }
0x4e: {  	_ =	shalt  }
0x4f: {  	_ =	shalt  }
0x50: {  	_ =	shalt  }
0x51: {  	_ =	shalt  }
0x52: {  	_ =	shalt  }
0x53: {  	_ =	shalt  }
0x54: {  	_ =	shalt  }
0x55: {  	_ =	shalt  }
0x56: {  	_ =	shalt  }
0x57: {  	_ =	shalt  }
0x58: {  	_ =	shalt  }
0x59: {  	_ =	shalt  }
0x5a: {  	_ =	shalt  }
0x5b: {  	_ =	shalt  }
0x5c: {  	_ =	shalt  }
0x5d: {  	_ =	shalt  }
0x5e: {  	_ =	shalt  }
0x5f: {  	_ =	shalt  }
0x60: {  	_ =	shalt  }
0x61: {  	_ =	shalt  }
0x62: {  	_ =	shalt  }
0x63: {  	_ =	shalt  }
0x64: {  	_ =	shalt  }
0x65: {  	_ =	shalt  }
0x66: {  	_ =	shalt  }
0x67: {  	_ =	shalt  }
0x68: {  	_ =	shalt  }
0x69: {  	_ =	shalt  }
0x6a: {  	_ =	shalt  }
0x6b: {  	_ =	shalt  }
0x6c: {  	_ =	shalt  }
0x6d: {  	_ =	shalt  }
0x6e: {  	_ =	shalt  }
0x6f: {  	_ =	shalt  }
0x70: {  	_ =	shalt  }
0x71: {  	_ =	shalt  }
0x72: {  	_ =	shalt  }
0x73: {  	_ =	shalt  }
0x74: {  	_ =	shalt  }
0x75: {  	_ =	shalt  }
0x76: {  	_ =	shalt  }
0x77: {  	_ =	shalt  }
0x78: {  	_ =	shalt  }
0x79: {  	_ =	shalt  }
0x7a: {  	_ =	shalt  }
0x7b: {  	_ =	shalt  }
0x7c: {  	_ =	shalt  }
0x7d: {  	_ =	shalt  }
0x7e: {  	_ =	shalt  }
0x7f: {  	_ =	shalt  }
0x80: {  	_ =	shalt  }
0x81: {  	_ =	shalt  }
0x82: {  	_ =	shalt  }
0x83: {  	_ =	shalt  }
0x84: {  	_ =	shalt  }
0x85: {  	_ =	shalt  }
0x86: {  	_ =	shalt  }
0x87: {  	_ =	shalt  }
.Lfunc_end0:
.L_simem_size_0:
called_computation_lowered:
.L_overlay_start_0:
0x88: {  	s2 =	sld [smem:$0x3FD9]  }
0x89: {  	s3 =	sld [smem:$0x3FFE];
	_ =	sdelay $0x1  }
0x8a: {  	s1 =	srdreg.scid  }
0x8b: {  	s0 =	sand.u32 $0x1, s1  }
0x8c: {  	s18 =	sshll.u32 s0, $0xA;
	s2 =	sadd.s32 s3, s2  }
0x8d: {  	s2 =	sadd.s32 s2, s18  }
0x8e: {  	[smem:$0x3FC4] =	sst s2  }
0x8f: {  	_ = 	snop  }
0x90: {  	s2 =	sld [smem:$0x3FC8]  }
0x91: {  	s19 =	sld [smem:$0x3FD0];
	(tm) =	ssettm $0x1  }
0x92: {  	s4 =	sld [smem:$0x3FFB];
	_ =	sdelay $0x3  }
0x93: {  	_ =	strace s4  }
0x94: {  	s4 =	sld [smem:$0x3FFC];
	_ =	sdelay $0x3  }
0x95: {  	_ =	strace s4  }
0x96: {  	s4 =	sld [smem:$0x3FFD];
	_ =	sdelay $0x3  }
0x97: {  	_ =	strace s4  }
0x98: {  	_ =	strace $0x8FFFFFFF  }
0x99: {  	s20 =	sld [smem:$0x3FDB];
	_ =	sdelay $0x1  }
0x9a: {  	s5 =	simm.s32 $_scs_section_size  }
0x9b: {  	s6 =	simm.s32 $_size__tile_overlayer_lowered;
	s7 =	simm.s32 $_tile_overlayer_lowered  }
0x9c: {  	s23 =	simm.s32 $0x1BFF;
	s22 =	sshll.u32 s7, $0x1;
	s4 =	sadd.s32 s5, s20  }
0x9d: {  	s8 =	simm.s32 $0x0;
	s21 =	sshll.u32 s6, $0x1;
	s6 =	sadd.s32 s22, s4  }
0x9e: {  	[timem:s8], [sflag:s23] =	dma.local [hbm:s6], s21  }
0x9f: {  	_ =	swait.ge [sflag:s23], s21  }
0xa0: {  	s5 =	ssub.s32 $0x0, s21;
	[sflag:s23] =	ssyncset.done $0x0  }
0xa1: {  	[sflag:s23] =	ssyncadd.s32 s5;
	_ =	sdelay $0x1  }
0xa2: {  	s24 =	simm.s32 $0x1B8B  }
0xa3: {  	_ =	swait.ge [sflag:s24], $0x1  }
0xa4: {  	[sflag:s24] =	ssyncset.done $0x0  }
0xa5: {  	s25 =	simm.s32 $0x1B8E;
	[sflag:s24] =	ssyncadd.s32 $0xFFFFFFFF  }
0xa6: {  	s26 =	simm.s32 $execute0_lowered;
	[smem:$0x3FD2] =	sst s25  }
0xa7: {  	s5 =	sshll.u32 s26, $0x1;
	_ =	strace $0x80000046;
	[dreg:$0x1] =	wrdreg $0xFFFFFFFF  }
0xa8: {  	s28 =	simm.s32 $_size_execute0_lowered;
	s4 =	sadd.s32 s4, s5;
	[dreg:$0x0] =	wrdreg $0x0  }
0xa9: {  	s5 =	sshll.u32 s28, $0x1;
	[dreg:$0x2] =	wrdreg s4  }
0xaa: {  	[dreg:$0x3] =	wrdreg s5  }
0xab: {  	[dreg:$0x4] =	wrdreg $0xC0  }
0xac: {  	_ =	task [dreg:s8], $0x5FFFF  }
0xad: {  	[dreg:$0x1] =	wrdreg $0xFFFFFFFF  }
0xae: {  	[dreg:$0x0] =	wrdreg $0x60  }
0xaf: {  	[dreg:$0x2] =	wrdreg s2  }
0xb0: {  	[dreg:$0x3] =	wrdreg s19  }
0xb1: {  	[dreg:$0x4] =	wrdreg $0xA2800  }
0xb2: {  	[dreg:$0x5] =	wrdreg $0x9  }
0xb3: {  	_ =	task.clear_ibuf [dreg:s8], $0x6FFFF;
	_ =	strace $0x90000046  }
0xb4: {  	s29 =	simm.s32 $0x9;
	_ =	strace $0x80000048  }
0xb5: {  	_ =	swait.ge [sflag:s29], $0x1  }
0xb6: {  	[sflag:s29] =	ssyncadd.s32 $0xFFFFFFFF  }
0xb7: {  	_ =	strace $0x90000048  }
0xb8: {  	_ =	sfence  }
0xb9: {  	s30 =	sld [smem:$0x0];
	_ =	sdelay $0x2  }
0xba: {  	s31 =	sshll.u32 s1, $0xD;
	s1 =	sshrl.u32 s1, $0x2  }
0xbb: {  	s3 =	sand.u32 $0x4000, s31;
	s1 =	sadd.s32 s1, s30  }
0xbc: {  	s0 =	sor.u32 s3, s0;
	s1 =	sshll.u32 s1, $0x11  }
0xbd: {  	s0 =	sor.u32 s1, s0  }
0xbe: {  	s0 =	sadd.s32 $0x8F2B, s0  }
0xbf: {  	[sflag:s0] =	ssyncadd.remote.s32 $0x1  }
0xc0: {  	_ =	sfence.sel $0xFFFF  }
0xc1: {  	[dreg:$0x0] =	wrdreg $0xFFFFFFFF;
	(pc) =	sbr.abs _section_cstart, $3  }
0xc2: {  	[dreg:$0x1] =	wrdreg $0xFFFFFFFF  }
0xc3: {  	_ =	task.clear_ibuf [dreg:s8], $0x2FFFF;
	_ =	strace $0x9FFFFFFF  }
0xc4: {  	(tm) =	ssettm $0x7FFFFFFF  }
0xc5: {  	_ =	shalt  }
tec
execute0_lowered:
.L_overlay_start_1:
0x0: {  	(tag) =	ssettag $0x1  }
0x1: {  	s5 =	rddreg [dreg:$0x0]  }
0x2: {  	s15 =	rddreg [dreg:$0x1]  }
0x3: {  	s2 =	rddreg [dreg:$0x2];
	s3 =	srdreg.scid  }
0x4: {  	s0 =	rddreg [dreg:$0x3];
	s1 =	stileid.u32;
	s18 =	simm.s32 $0x2  }
0x5: {  	s19 =	simm.s32 $0x1;
	s20 =	simm.s32 $0x5000;
	s21 =	simm.s32 $0x7800  }
0x6: {  	s22 =	simm.s32 $0x0;
	s7 =	sand.u32 $0x1, s3;
	s6 =	smul.u32 $0x1380, s1  }
0x7: {  	s3 =	simm.s32 $0x0;
	p0 =	seq.s32 s1, $0xF;
	s12 =	smul.u32 $0x280, s1  }
0x8: {  	s4 =	ssub.s32 $0x2, s7;
	[smem:$0x7FF] =	sst s3;
	s9 =	smul.u32 $0xA00, s7  }
0x9: {  	p1 =	seq.s32 s7, $0x0;
	s13 =	smul.u32 $0x2800, s7;
	s8 =	sshrl.u32 s4, $0x1  }
0xa: {  	s7 =	simm.s32 $0x2800;
	_ =	strace $0x80000047;
	s16 =	ssub.s32 s4, s8  }
0xb: {  	s6 =	sadd.s32 s9, s6;
	s4 =	simm.s32 $0x2800;
	s14 =	sadd.s32 s12, s13  }
0xc: {  	s5 =	sadd.s32 s5, s6;
	s4 =	simm.s32 @!p0 $0x2600;
	s6 =	sadd.s32 s12, s2  }
0xd: {  	s17 =	sshrl.u32 s14, $0x3;
	s16 =	smax.u32 s16, $0x1;
	s4 =	simm.s32 @p1 $0x2800  }
0xe: {  	s15 =	sadd.s32 s15, s17;
	s17 =	simm.s32 $0xA000;
	s8 =	sadd.s32 $0xFFFFFFF0, s4  }
0xf: {  	s9 =	sadd.s32 $0xFFFFFFE0, s4;
	s10 =	sadd.s32 $0xFFFFFFD0, s4;
	s11 =	sadd.s32 $0xFFFFFFC0, s4  }
0x10: {  	v0 =	vimm.f32 $0.0e+00;
	s12 =	sadd.s32 $0xFFFFFFB0, s4;
	s13 =	sadd.s32 $0xFFFFFFA0, s4;
	s14 =	sadd.s32 $0xFFFFFF90, s4  }
.LBB2_1:
0x11: {  	[tilespmem:s3], [sflag:$0x1] =	stream.linear.gather [hbm4b:s5+s3], $0x5000, $0x38;
	[tilespmem:$0xA500] =	vst v63  }
0x12: {  	s23 =	simm.s32 $0xA040  }
0x13: {  	[tilespmem:s23+$0xFFFFFFC0] =	vst v0  }
0x14: {  	[tilespmem:s23+$0x30] =	vst v0  }
0x15: {  	[tilespmem:s23+$0x20] =	vst v0  }
0x16: {  	[tilespmem:s23+$0x10] =	vst v0  }
0x17: {  	[tilespmem:s23+$0x0] =	vst v0  }
0x18: {  	[tilespmem:s23+$0xFFFFFFF0] =	vst v0  }
0x19: {  	s24 =	simm.s32 $0x0;
	[tilespmem:s23+$0xFFFFFFE0] =	vst v0  }
.LBB2_2:
0x1a: {  	s24 =	sadd.s32 $0x80, s24;
	[tilespmem:s23+$0xFFFFFFD0] =	vst v0;
	s23 =	sadd.s32 $0x80, s23  }
0x1b: {  	[tilespmem:s23+$0xFFFFFFC0] =	vst v0;
	p0 =	slt.u32 s24, $0x200  }
0x1c: {  	[tilespmem:s23+$0x30] =	vst v0  }
.Ltmp0:
0x1d: {  	[tilespmem:s23+$0x20] =	vst v0;
	(pc) =	sbr.rel @p0 .LBB2_2-.Ltmp0, $4  }
0x1e: {  	[tilespmem:s23+$0x10] =	vst v0  }
0x1f: {  	[tilespmem:s23+$0x0] =	vst v0  }
0x20: {  	[tilespmem:s23+$0xFFFFFFF0] =	vst v0  }
0x21: {  	[tilespmem:s23+$0xFFFFFFE0] =	vst v0  }
0x22: {  	[tilespmem:s23+$0xFFFFFFD0] =	vst v0;
	s23 =	simm.s32 $0x7840  }
0x23: {  	p1 =	sgt.u32 s4, $0x0;
	p0 =	sgt.u32 s8, $0x0;
	p2 =	sgt.u32 s12, $0x0  }
0x24: {  	p4 =	sgt.u32 s10, $0x0;
	p5 =	sgt.u32 s11, $0x0;
	s24 =	simm.f32 $1.000000000e+00  }
0x25: {  	s25 =	simm.f32 $1.000000000e+00;
	p3 =	sgt.u32 s14, $0x0;
	s26 =	simm.f32 $1.000000000e+00  }
0x26: {  	[spmem:s6] =	stream.linear.scatter [tilespmem:s17], [sflag:$0x2], $0x280, $0x38;
	[tilespmem:$0xA500] =	vst v63  }
0x27: {  	s28 =	simm.f32 $1.000000000e+00;
	s29 =	simm.f32 $1.000000000e+00;
	_ =	swait.ge [sflag:s18], $0x280  }
0x28: {  	s24 =	simm.s32 @!p5 $0x0;
	s25 =	simm.s32 @!p2 $0x0;
	[sflag:s18] =	ssyncset.done $0x0  }
0x29: {  	p5 =	sgt.u32 s13, $0x0;
	v1 =	vmov s25;
	s25 =	simm.f32 $1.000000000e+00;
	[sflag:s18] =	ssyncadd.s32 $0xFFFFFD80  }
0x2a: {  	s30 =	simm.f32 $1.000000000e+00;
	p2 =	sgt.u32 s9, $0x0;
	v2 =	vmov s24;
	s25 =	simm.s32 @!p5 $0x0;
	[tilespmem:s23+$0x10] =	vst v1  }
0x2b: {  	s26 =	simm.s32 @!p4 $0x0;
	s28 =	simm.s32 @!p1 $0x0;
	v3 =	vmov s25;
	s25 =	simm.f32 $1.000000000e+00;
	[tilespmem:s23+$0x0] =	vst v2  }
0x2c: {  	s29 =	simm.s32 @!p3 $0x0;
	v5 =	vmov s26;
	s30 =	simm.s32 @!p2 $0x0;
	v1 =	vmov s28;
	s25 =	simm.s32 @!p0 $0x0;
	[tilespmem:s23+$0x20] =	vst v3  }
0x2d: {  	s24 =	simm.s32 $0x0;
	v3 =	vmov s29;
	v2 =	vmov s30;
	[tilespmem:s23+$0xFFFFFFF0] =	vst v5;
	v4 =	vmov s25;
	s25 =	simm.s32 $0x7840  }
.LBB2_4:
0x2e: {  	s24 =	sadd.s32 $0x80, s24;
	s25 =	sadd.s32 $0x80, s25  }
0x2f: {  	s26 =	simm.f32 $1.000000000e+00;
	s28 =	simm.f32 $1.000000000e+00;
	p1 =	slt.u32 s24, s4  }
0x30: {  	[tilespmem:s23+$0xFFFFFFD0] =	vst v4;
	p0 =	slt.u32 s24, s8;
	p3 =	slt.u32 s24, s12;
	p5 =	slt.u32 s24, s11  }
0x31: {  	[tilespmem:s23+$0x30] =	vst v3;
	p4 =	slt.u32 s24, s10;
	p2 =	slt.u32 s24, s14;
	s26 =	simm.s32 @!p5 $0x0  }
0x32: {  	[tilespmem:s23+$0xFFFFFFC0] =	vst v1;
	s28 =	simm.s32 @!p3 $0x0;
	p5 =	slt.u32 s24, s13;
	p3 =	slt.u32 s24, s9  }
0x33: {  	[tilespmem:s23+$0xFFFFFFE0] =	vst v2;
	s23 =	simm.f32 $1.000000000e+00;
	v2 =	vmov s26;
	v1 =	vmov s28;
	s26 =	simm.f32 $1.000000000e+00;
	s28 =	simm.f32 $1.000000000e+00  }
0x34: {  	s23 =	simm.s32 @!p4 $0x0;
	s28 =	simm.s32 @!p1 $0x0;
	p1 =	slt.u32 s24, $0x2780  }
.Ltmp1:
0x35: {  	s26 =	simm.s32 @!p5 $0x0;
	v5 =	vmov s23;
	s23 =	simm.f32 $1.000000000e+00;
	(pc) =	sbr.rel @p1 .LBB2_4-.Ltmp1, $4  }
0x36: {  	[tilespmem:s25+$0x10] =	vst v1;
	v6 =	vmov s26;
	v1 =	vmov s28;
	s26 =	simm.f32 $1.000000000e+00;
	s28 =	simm.f32 $1.000000000e+00;
	s23 =	simm.s32 @!p2 $0x0  }
0x37: {  	s26 =	simm.s32 @!p0 $0x0;
	s28 =	simm.s32 @!p3 $0x0;
	[tilespmem:s25+$0x0] =	vst v2;
	v3 =	vmov s23;
	s23 =	smov.u32 s25  }
0x38: {  	v4 =	vmov s26;
	v2 =	vmov s28;
	[tilespmem:s25+$0x20] =	vst v6  }
0x39: {  	[tilespmem:s25+$0xFFFFFFF0] =	vst v5  }
0x3a: {  	[tilespmem:s23+$0xFFFFFFD0] =	vst v4  }
0x3b: {  	[tilespmem:s23+$0x30] =	vst v3  }
0x3c: {  	[tilespmem:s23+$0xFFFFFFC0] =	vst v1  }
0x3d: {  	[tilespmem:s23+$0xFFFFFFE0] =	vst v2  }
0x3e: {  	_ =	swait.ge [sflag:s19], $0x5000  }
0x3f: {  	[sflag:s19] =	ssyncset.done $0x0  }
0x40: {  	s25 =	simm.s32 $0x40;
	[sflag:s19] =	ssyncadd.s32 $0xFFFFB000  }
0x41: {  	v4 =	vld [tilespmem:s25+$0x30]  }
0x42: {  	v5 =	vld [tilespmem:s25+$0xFFFFFFD0]  }
0x43: {  	v6 =	vld [tilespmem:s25+$0xFFFFFFE0]  }
0x44: {  	v1 =	vld [tilespmem:s25+$0xFFFFFFF0]  }
0x45: {  	s23 =	simm.s32 $0x5040;
	v2 =	vld [tilespmem:s25+$0x0]  }
0x46: {  	v3 =	vld [tilespmem:s25+$0x10];
	[tilespmem:s23+$0x30] =	vst v4  }
0x47: {  	[tilespmem:s23+$0xFFFFFFD0] =	vst v5;
	v4 =	vld [tilespmem:s25+$0x20]  }
0x48: {  	s24 =	simm.s32 $0x0;
	v5 =	vld [tilespmem:s25+$0xFFFFFFC0];
	[tilespmem:s23+$0xFFFFFFE0] =	vst v6;
	s25 =	simm.s32 $0x140  }
.LBB2_6:
0x49: {  	v6 =	vld [tilespmem:s25+$0x30];
	s24 =	sadd.s32 $0x80, s24;
	[tilespmem:s23+$0xFFFFFFF0] =	vst v1  }
0x4a: {  	v7 =	vld [tilespmem:s25+$0xFFFFFFD0];
	p0 =	slt.u32 s24, $0x2780;
	[tilespmem:s23+$0x0] =	vst v2  }
0x4b: {  	v8 =	vld [tilespmem:s25+$0xFFFFFFE0];
	[tilespmem:s23+$0x10] =	vst v3  }
.Ltmp2:
0x4c: {  	v1 =	vld [tilespmem:s25+$0xFFFFFFF0];
	[tilespmem:s23+$0x20] =	vst v4;
	(pc) =	sbr.rel @p0 .LBB2_6-.Ltmp2, $4  }
0x4d: {  	v2 =	vld [tilespmem:s25+$0x0];
	[tilespmem:s23+$0xFFFFFFC0] =	vst v5;
	s23 =	sadd.s32 $0x80, s23  }
0x4e: {  	v3 =	vld [tilespmem:s25+$0x10];
	[tilespmem:s23+$0x30] =	vst v6  }
0x4f: {  	[tilespmem:s23+$0xFFFFFFD0] =	vst v7;
	v4 =	vld [tilespmem:s25+$0x20]  }
0x50: {  	v5 =	vld [tilespmem:s25+$0xFFFFFFC0];
	[tilespmem:s23+$0xFFFFFFE0] =	vst v8;
	s25 =	sadd.s32 $0x100, s25  }
0x51: {  	[tilespmem:s23+$0xFFFFFFF0] =	vst v1  }
0x52: {  	[tilespmem:s23+$0x0] =	vst v2  }
0x53: {  	[tilespmem:s23+$0x10] =	vst v3  }
0x54: {  	[tilespmem:s23+$0x20] =	vst v4  }
0x55: {  	[tilespmem:s23+$0xFFFFFFC0] =	vst v5  }
0x56: {  	[bflag:$0x0] =	sbarrier.arrive $0xFFFF  }
0x57: {  	[spmem:s2] =	stream.indirect.scatter.add.f32 [tilespmem:s21], [sflag:$0x2], $0x1, s20, s7, $0xb8;
	[tilespmem:$0xA500] =	vst v63  }
0x58: {  	_ =	swait.ge [sflag:s18], $0x2800  }
0x59: {  	[sflag:s18] =	ssyncset.done $0x0  }
0x5a: {  	[sflag:s18] =	ssyncadd.s32 $0xFFFFD800  }
0x5b: {  	[bflag:$0x0] =	sbarrier.arrive $0xFFFF  }
0x5c: {  	[tilespmem:s17], [sflag:$0x2] =	stream.linear.gather [spmem:s6], $0x280, $0x38;
	[tilespmem:$0xA500] =	vst v63  }
0x5d: {  	s22 =	sadd.s32 $0x1, s22;
	_ =	swait.ge [sflag:s18], $0x280  }
0x5e: {  	p0 =	sne.s32 s22, s16;
	[sflag:s18] =	ssyncset.done $0x0  }
.Ltmp3:
0x5f: {  	[sflag:s18] =	ssyncadd.s32 $0xFFFFFD80;
	(pc) =	sbr.rel @p0 .LBB2_1-.Ltmp3, $4  }
0x60: {  	[hbm4b:s15+s3] =	stream.linear.scatter [tilespmem:s17], [sflag:$0x2], $0x280, $0x38;
	[tilespmem:$0xA500] =	vst v63  }
0x61: {  	_ =	swait.ge [sflag:s18], $0x280  }
0x62: {  	[sflag:s18] =	ssyncset.done $0x0  }
0x63: {  	[sflag:s18] =	ssyncadd.s32 $0xFFFFFD80  }
0x64: {  	_ =	sfence.sel $0x180000  }
0x65: {  	[bflag:$0x0] =	sbarrier.arrive $0xFFFF  }
0x66: {  	p0 =	sne.s32 s1, $0x0;
	_ =	strace $0x90000047  }
0x67: {  	s0 =	sadd.s32 @!p0 $0x100000, s0;
	[bflag:$0x2] =	sbarrier.arrive $0xFFFF  }
0x68: {  	[sflag:s0] =	ssyncadd.tile.s32 @!p0 $0x1;
	_ =	shalt  }
.Lfunc_end2:
_tile_overlayer_lowered:
.L_overlay_start_2:
0x69: {  	(tag) =	ssettag $0x2  }
0x6a: {  	s0 =	rddreg [dreg:$0x0];
	s2 =	stileid.u32  }
0x6b: {  	s1 =	rddreg [dreg:$0x1];
	p0 =	sne.s32 s2, $0x0  }
0x6c: {  	s3 =	rddreg [dreg:$0x2];
	[bflag:$0x3] =	sbarrier.arrive $0xFFFF;
	s2 =	simm.s32 @!p0 $0x1C02  }
0x6d: {  	[timem:s3], [sflag:s2] =	dma.local @!p0 [hbm:s0], s1  }
0x6e: {  	s0 =	simm.s32 @!p0 $0x2  }
0x6f: {  	_ =	swait.ge @!p0 [sflag:s0], s1  }
0x70: {  	s1 =	ssub.s32 @!p0 $0x0, s1;
	[sflag:s0] =	ssyncset.done @!p0 $0x0  }
0x71: {  	[sflag:s0] =	ssyncadd.s32 @!p0 s1  }
0x72: {  	[bflag:$0x3] =	sbarrier.arrive $0xFFFF  }
0x73: {  	_ =	shalt  }

// kernel: kernel.8.cloned.1.call-start
scs
__scs_entry_jumppad:
0x0: {  	(pc) =	sbr.rel $0x88, $3  }
0x1: {  	(tag) =	ssettag $0x0;
	lr =	simm.s32 $0x1  }
0x2: {  	[smem:$0x3F9D] =	sst lr;
	_ =	strace $0xD0000000  }
0x3: {  	_ = 	snop  }
0x4: {  	_ = 	snop  }
0x5: {  	_ = 	snop  }
0x6: {  	_ = 	snop  }
0x7: {  	_ = 	snop  }
__scs_overlays_trampoline_lowered:
0x8: {  	[smem:$0x3FAC] =	sst s0  }
0x9: {  	[smem:$0x3FAD] =	sst s1  }
0xa: {  	[smem:$0x3FAE] =	sst s2  }
0xb: {  	[smem:$0x3FAF] =	sst s3  }
0xc: {  	[smem:$0x3FB0] =	sst s4  }
0xd: {  	[smem:$0x3FB1] =	sst s5  }
0xe: {  	[smem:$0x3FB2] =	sst s6  }
0xf: {  	[smem:$0x3FB3] =	sst s7  }
0x10: {  	[smem:$0x3FB4] =	sst s8  }
0x11: {  	[smem:$0x3FB5] =	sst s9;
	s0 =	simm.s32 @!p0 $0x0  }
0x12: {  	s1 =	sld [smem:$0x3F9B];
	s0 =	simm.s32 @p0 $0x1  }
0x13: {  	[smem:$0x3FB6] =	sst s0;
	s0 =	simm.s32 @!p1 $0x0  }
0x14: {  	s2 =	sld [smem:$0x3F9A];
	s0 =	simm.s32 @p1 $0x1  }
0x15: {  	[smem:$0x3FB7] =	sst s0;
	s0 =	simm.s32 @!p2 $0x0  }
0x16: {  	s3 =	sld [smem:$0x3FDB];
	s0 =	simm.s32 @p2 $0x1  }
0x17: {  	s4 =	simm.s32 $0x1BF5;
	[smem:$0x3FB9] =	sst s0  }
0x18: {  	s0 =	sld [smem:$0x3F9C];
	_ =	swait.ge [sflag:s4], $0x0  }
0x19: {  	s7 =	sld [smem:$0x3F9D]  }
0x1a: {  	s8 =	sadd.s32 $0xFFFFE003, lr  }
0x1b: {  	s9 =	sadd.s32 $0xFFFFFEF7, lr;
	s5 =	simm.s32 $0xFFFFFFFF;
	p2 =	slt.u32 s8, $0xFFFFF086  }
0x1c: {  	p1 =	slt.u32 s9, $0xF7A;
	s5 =	simm.s32 @!p2 $0x0  }
0x1d: {  	s5 =	simm.s32 @p1 $0x1;
	p0 =	seq.s32 s7, s2  }
0x1e: {  	s7 =	smul.u32 @!p0 $0xF7A, s2;
	p2 =	seq.s32 @!p0 s5, $0x0  }
0x1f: {  	s9 =	smul.u32 $0xF7A, s1;
	s8 =	simm.s32 @!p0 $0x1BF5;
	p2 =	por !p2, p0  }
0x20: {  	[sflag:s8] =	ssyncset.s32 @!p0 $0xFFFFF086;
	s6 =	sadd.s32 @!p0 s3, s7;
	s7 =	simm.s32 @!p0 $0x108  }
0x21: {  	s3 =	sadd.s32 s3, s9;
	s6 =	sadd.s32 @!p0 $0x88, s6;
	s7 =	simm.s32 @p2 $0x1082  }
0x22: {  	[simem:s7], [sflag:s8] =	dma.local @!p0 [hbm:s6], $0xF7A  }
0x23: {  	s9 =	sor.u32 $0xD0000000, s2;
	s6 =	simm.s32 $0x108;
	_ =	swait.ge @!p0 [sflag:s8], $0x0  }
0x24: {  	s3 =	sadd.s32 $0x88, s3;
	s6 =	simm.s32 @!p1 $0x1082;
	[sflag:s4] =	ssyncset.s32 $0xFFFFF086  }
0x25: {  	[simem:s6], [sflag:s4] =	dma.local [hbm:s3], $0xF7A  }
0x26: {  	[smem:$0x3F9D] =	sst s1;
	(tag) =	ssettag s2;
	_ =	strace s9  }
0x27: {  	s1 =	sld [smem:$0x3FAD]  }
0x28: {  	s2 =	sld [smem:$0x3FAE]  }
0x29: {  	s4 =	sld [smem:$0x3FB0]  }
0x2a: {  	p0 =	seq.s32 s5, $0x0;
	s5 =	sld [smem:$0x3FB1]  }
0x2b: {  	s6 =	sld [smem:$0x3FB2]  }
0x2c: {  	s7 =	sld [smem:$0x3FB3]  }
0x2d: {  	s3 =	simm.s32 $0x108;
	s8 =	sld [smem:$0x3FB4]  }
0x2e: {  	s3 =	simm.s32 @!p0 $0x1082;
	s9 =	sld [smem:$0x3FB5]  }
0x2f: {  	lr =	sadd.s32 s0, s3;
	s0 =	sld [smem:$0x3FAC]  }
0x30: {  	s3 =	sld [smem:$0x3FAF]  }
0x31: {  	[smem:$0x3FB8] =	sst s10  }
0x32: {  	s10 =	sld [smem:$0x3FB6];
	_ =	sdelay $0x3  }
0x33: {  	p0 =	seq.s32 s10, $0x1;
	s10 =	sld [smem:$0x3FB8];
	_ =	sdelay $0x3  }
0x34: {  	[smem:$0x3FB8] =	sst s10  }
0x35: {  	s10 =	sld [smem:$0x3FB7];
	_ =	sdelay $0x3  }
0x36: {  	p1 =	seq.s32 s10, $0x1;
	s10 =	sld [smem:$0x3FB8];
	_ =	sdelay $0x3  }
0x37: {  	[smem:$0x3FB8] =	sst s10  }
0x38: {  	s10 =	sld [smem:$0x3FB9]  }
0x39: {  	_ = 	snop;
	(pc) =	sbr.ind lr, $3  }
0x3a: {  	_ = 	snop  }
0x3b: {  	_ = 	snop  }
0x3c: {  	p2 =	seq.s32 s10, $0x1;
	s10 =	sld [smem:$0x3FB8]  }
0x3d: {  	_ =	shalt  }
0x3e: {  	_ =	shalt  }
0x3f: {  	_ =	shalt  }
0x40: {  	_ =	shalt  }
0x41: {  	_ =	shalt  }
0x42: {  	_ =	shalt  }
0x43: {  	_ =	shalt  }
0x44: {  	_ =	shalt  }
0x45: {  	_ =	shalt  }
0x46: {  	_ =	shalt  }
0x47: {  	_ =	shalt  }
0x48: {  	_ =	shalt  }
0x49: {  	_ =	shalt  }
0x4a: {  	_ =	shalt  }
0x4b: {  	_ =	shalt  }
0x4c: {  	_ =	shalt  }
0x4d: {  	_ =	shalt  }
0x4e: {  	_ =	shalt  }
0x4f: {  	_ =	shalt  }
0x50: {  	_ =	shalt  }
0x51: {  	_ =	shalt  }
0x52: {  	_ =	shalt  }
0x53: {  	_ =	shalt  }
0x54: {  	_ =	shalt  }
0x55: {  	_ =	shalt  }
0x56: {  	_ =	shalt  }
0x57: {  	_ =	shalt  }
0x58: {  	_ =	shalt  }
0x59: {  	_ =	shalt  }
0x5a: {  	_ =	shalt  }
0x5b: {  	_ =	shalt  }
0x5c: {  	_ =	shalt  }
0x5d: {  	_ =	shalt  }
0x5e: {  	_ =	shalt  }
0x5f: {  	_ =	shalt  }
0x60: {  	_ =	shalt  }
0x61: {  	_ =	shalt  }
0x62: {  	_ =	shalt  }
0x63: {  	_ =	shalt  }
0x64: {  	_ =	shalt  }
0x65: {  	_ =	shalt  }
0x66: {  	_ =	shalt  }
0x67: {  	_ =	shalt  }
0x68: {  	_ =	shalt  }
0x69: {  	_ =	shalt  }
0x6a: {  	_ =	shalt  }
0x6b: {  	_ =	shalt  }
0x6c: {  	_ =	shalt  }
0x6d: {  	_ =	shalt  }
0x6e: {  	_ =	shalt  }
0x6f: {  	_ =	shalt  }
0x70: {  	_ =	shalt  }
0x71: {  	_ =	shalt  }
0x72: {  	_ =	shalt  }
0x73: {  	_ =	shalt  }
0x74: {  	_ =	shalt  }
0x75: {  	_ =	shalt  }
0x76: {  	_ =	shalt  }
0x77: {  	_ =	shalt  }
0x78: {  	_ =	shalt  }
0x79: {  	_ =	shalt  }
0x7a: {  	_ =	shalt  }
0x7b: {  	_ =	shalt  }
0x7c: {  	_ =	shalt  }
0x7d: {  	_ =	shalt  }
0x7e: {  	_ =	shalt  }
0x7f: {  	_ =	shalt  }
0x80: {  	_ =	shalt  }
0x81: {  	_ =	shalt  }
0x82: {  	_ =	shalt  }
0x83: {  	_ =	shalt  }
0x84: {  	_ =	shalt  }
0x85: {  	_ =	shalt  }
0x86: {  	_ =	shalt  }
0x87: {  	_ =	shalt  }
.Lfunc_end0:
.L_simem_size_0:
called_computation.1_lowered:
.L_overlay_start_0:
0x88: {  	s2 =	sld [smem:$0x3FD9]  }
0x89: {  	s3 =	sld [smem:$0x3FFE];
	_ =	sdelay $0x1  }
0x8a: {  	s1 =	srdreg.scid  }
0x8b: {  	s0 =	sand.u32 $0x1, s1  }
0x8c: {  	s17 =	sshll.u32 s0, $0xA;
	s2 =	sadd.s32 s3, s2  }
0x8d: {  	s2 =	sadd.s32 s2, s17  }
0x8e: {  	[smem:$0x3FC4] =	sst s2  }
0x8f: {  	_ = 	snop  }
0x90: {  	s2 =	sld [smem:$0x3FC8]  }
0x91: {  	s18 =	sld [smem:$0x3FD0];
	(tm) =	ssettm $0x1  }
0x92: {  	s4 =	sld [smem:$0x3FFB];
	_ =	sdelay $0x3  }
0x93: {  	_ =	strace s4  }
0x94: {  	s4 =	sld [smem:$0x3FFC];
	_ =	sdelay $0x3  }
0x95: {  	_ =	strace s4  }
0x96: {  	s4 =	sld [smem:$0x3FFD];
	_ =	sdelay $0x3  }
0x97: {  	_ =	strace s4  }
0x98: {  	_ =	strace $0x8FFFFFFF  }
0x99: {  	s19 =	sld [smem:$0x3FDB];
	_ =	sdelay $0x1  }
0x9a: {  	s5 =	simm.s32 $_scs_section_size  }
0x9b: {  	s6 =	simm.s32 $_size__tile_overlayer_lowered;
	s7 =	simm.s32 $_tile_overlayer_lowered  }
0x9c: {  	s22 =	simm.s32 $0x1BFF;
	s21 =	sshll.u32 s7, $0x1;
	s4 =	sadd.s32 s5, s19  }
0x9d: {  	s8 =	simm.s32 $0x0;
	s20 =	sshll.u32 s6, $0x1;
	s6 =	sadd.s32 s21, s4  }
0x9e: {  	[timem:s8], [sflag:s22] =	dma.local [hbm:s6], s20  }
0x9f: {  	_ =	swait.ge [sflag:s22], s20  }
0xa0: {  	s5 =	ssub.s32 $0x0, s20;
	[sflag:s22] =	ssyncset.done $0x0  }
0xa1: {  	[sflag:s22] =	ssyncadd.s32 s5;
	_ =	sdelay $0x1  }
0xa2: {  	s23 =	simm.s32 $0x1B8B  }
0xa3: {  	_ =	swait.ge [sflag:s23], $0x1  }
0xa4: {  	[sflag:s23] =	ssyncset.done $0x0  }
0xa5: {  	s25 =	simm.s32 $0x1B8E;
	s24 =	sld [smem:$0x3FFE];
	[sflag:s23] =	ssyncadd.s32 $0xFFFFFFFF  }
0xa6: {  	s26 =	simm.s32 $execute0_lowered;
	[smem:$0x3FD2] =	sst s25  }
0xa7: {  	s6 =	sshll.u32 s26, $0x1;
	_ =	strace $0x80000049;
	[dreg:$0x1] =	wrdreg $0xFFFFFFFF  }
0xa8: {  	s28 =	simm.s32 $_size_execute0_lowered;
	s4 =	sadd.s32 s4, s6;
	[dreg:$0x0] =	wrdreg $0x0  }
0xa9: {  	s6 =	sshll.u32 s28, $0x1;
	[dreg:$0x2] =	wrdreg s4  }
0xaa: {  	[dreg:$0x3] =	wrdreg s6  }
0xab: {  	[dreg:$0x4] =	wrdreg $0xC0  }
0xac: {  	_ =	task [dreg:s8], $0x5FFFF  }
0xad: {  	[dreg:$0x1] =	wrdreg $0xFFFFFFFF  }
0xae: {  	[dreg:$0x0] =	wrdreg $0x60  }
0xaf: {  	[dreg:$0x2] =	wrdreg s2  }
0xb0: {  	[dreg:$0x3] =	wrdreg s18  }
0xb1: {  	[dreg:$0x4] =	wrdreg s24  }
0xb2: {  	[dreg:$0x5] =	wrdreg $0xA7800  }
0xb3: {  	[dreg:$0x6] =	wrdreg $0xAA000  }
0xb4: {  	[dreg:$0x7] =	wrdreg $0x9  }
0xb5: {  	_ =	task.clear_ibuf [dreg:s8], $0x8FFFF;
	_ =	strace $0x90000049  }
0xb6: {  	s29 =	simm.s32 $0x9;
	_ =	strace $0x8000004B  }
0xb7: {  	_ =	swait.ge [sflag:s29], $0x1  }
0xb8: {  	[sflag:s29] =	ssyncadd.s32 $0xFFFFFFFF  }
0xb9: {  	_ =	strace $0x9000004B  }
0xba: {  	_ =	sfence  }
0xbb: {  	s30 =	sld [smem:$0x0];
	_ =	sdelay $0x2  }
0xbc: {  	s31 =	sshll.u32 s1, $0xD;
	s1 =	sshrl.u32 s1, $0x2  }
0xbd: {  	s3 =	sand.u32 $0x4000, s31;
	s1 =	sadd.s32 s1, s30  }
0xbe: {  	s0 =	sor.u32 s3, s0;
	s1 =	sshll.u32 s1, $0x11  }
0xbf: {  	s0 =	sor.u32 s1, s0  }
0xc0: {  	s0 =	sadd.s32 $0x8F2B, s0  }
0xc1: {  	[sflag:s0] =	ssyncadd.remote.s32 $0x1  }
0xc2: {  	_ =	sfence.sel $0xFFFF  }
0xc3: {  	[dreg:$0x0] =	wrdreg $0xFFFFFFFF;
	(pc) =	sbr.abs _section_cstart, $3  }
0xc4: {  	[dreg:$0x1] =	wrdreg $0xFFFFFFFF  }
0xc5: {  	_ =	task.clear_ibuf [dreg:s8], $0x2FFFF;
	_ =	strace $0x9FFFFFFF  }
0xc6: {  	(tm) =	ssettm $0x7FFFFFFF  }
0xc7: {  	_ =	shalt  }
tec
execute0_lowered:
.L_overlay_start_1:
0x0: {  	(tag) =	ssettag $0x1  }
0x1: {  	v0 =	vimm.f32 $1.500000000e+01;
	vm0 =	vcmask $0x300;
	v1 =	vimm.s32 $0xEFCDAB89  }
0x2: {  	v2 =	vimm.s32 $0x67452301;
	v3 =	vimm.s32 $0xDCFE98BA;
	v5 =	vimm.s32 $0x32107654  }
0x3: {  	s0 =	rddreg [dreg:$0x0];
	v6 =	vimm.s32 $0xFEDCBA98;
	v7 =	vimm.s32 $0x76543210;
	v0 =	vsel vm0, $0x0, v0  }
0x4: {  	s4 =	rddreg [dreg:$0x1];
	vm0 =	vcmask $0x704;
	v1 =	vunpack.c.l.s4.s8 v1;
	v2 =	vunpack.c.l.s4.s8 v2  }
0x5: {  	s5 =	rddreg [dreg:$0x2];
	v3 =	vunpack.c.l.s4.s8 v3;
	v5 =	vunpack.c.l.s4.s8 v5;
	v6 =	vunpack.c.l.s4.s8 v6  }
0x6: {  	s1 =	rddreg [dreg:$0x3];
	v7 =	vunpack.c.l.s4.s8 v7;
	v0 =	vsel vm0, $0x3F800000, v0;
	vm0 =	vcmask $0xB08  }
0x7: {  	s2 =	rddreg [dreg:$0x4];
	v0 =	vsel vm0, $0x40000000, v0;
	vm0 =	vcmask $0xF0C;
	v1 =	vunpack.c.0.s8.s32 v1  }
0x8: {  	s3 =	simm.s32 $0x0;
	s6 =	srdreg.scid;
	s20 =	stileid.u32;
	v2 =	vunpack.c.0.s8.s32 v2;
	v5 =	vunpack.c.0.s8.s32 v5;
	v6 =	vunpack.c.0.s8.s32 v6  }
0x9: {  	s13 =	simm.s32 $0x2800;
	s21 =	simm.s32 $0xA500;
	s22 =	simm.s32 $0xA600;
	v7 =	vunpack.c.0.s8.s32 v7;
	v0 =	vsel vm0, $0x40400000, v0;
	vm0 =	vcmask $0x1310  }
0xa: {  	s23 =	simm.s32 $0x1;
	s24 =	simm.s32 $0x5000;
	s25 =	simm.s32 $0x7800;
	v0 =	vsel vm0, $0x40800000, v0;
	vm0 =	vcmask $0x1714;
	v4 =	vcombine.low v2, v1  }
0xb: {  	s26 =	simm.s32 $0x0;
	[smem:$0x7FF] =	sst s3;
	s16 =	sadd.s32 $0x1E00, s5;
	v1 =	vunpack.c.0.s8.s32 v3;
	v2 =	vimm.s32 $0x54761032;
	v3 =	vimm.s32 $0xBA98FEDC  }
0xc: {  	s14 =	sand.u32 $0x1, s6;
	s28 =	smul.u32 $0x1380, s20;
	s17 =	sadd.s32 $0x2400, s5;
	v6 =	vand.u32 $0xF, v6;
	v0 =	vsel vm0, $0x40A00000, v0;
	vm0 =	vcmask $0x1B18  }
0xd: {  	s5 =	sadd.s32 $0x2A00, s5;
	s18 =	smul.u32 $0x280, s20;
	p1 =	seq.s32 s20, $0xF;
	v2 =	vunpack.c.l.s4.s8 v2;
	v0 =	vsel vm0, $0x40C00000, v0;
	vm0 =	vcmask $0x1F1C  }
0xe: {  	s30 =	sshll.u32 s20, $0x4;
	s12 =	sadd.s32 $0x100, s2;
	_ =	strace $0x8000004A;
	v3 =	vunpack.c.l.s4.s8 v3;
	v0 =	vsel vm0, $0x40E00000, v0;
	vm0 =	vcmask $0x2320  }
0xf: {  	s7 =	ssub.s32 $0x2, s14;
	s8 =	smul.u32 $0xA00, s14;
	p0 =	seq.s32 s14, $0x0;
	v6 =	vcombine.low v6, v7;
	v0 =	vsel vm0, $0x41000000, v0;
	vm0 =	vcmask $0x2724  }
0x10: {  	s10 =	sadd.s32 s30, s2;
	s31 =	sor.u32 s14, s20;
	s13 =	simm.s32 @!p1 $0x2600;
	v2 =	vunpack.c.0.s8.s32 v2;
	v0 =	vsel vm0, $0x41100000, v0;
	vm0 =	vcmask $0x2B28  }
0x11: {  	s9 =	sshrl.u32 s7, $0x1;
	s29 =	sshrl.u32 s18, $0x3;
	s19 =	scvt.s32.f32 s18;
	v3 =	vunpack.c.0.s8.s32 v3;
	v0 =	vsel vm0, $0x41200000, v0;
	vm0 =	vcmask $0x2F2C  }
0x12: {  	s11 =	sadd.s32 $0x100, s10;
	s13 =	simm.s32 @p0 $0x2800;
	s17 =	smov.u32 @p0 s16;
	v8 =	vcombine.low v2, v1;
	v0 =	vsel vm0, $0x41300000, v0;
	vm0 =	vcmask $0x3330  }
0x13: {  	p0 =	sne.s32 s31, $0x0;
	s15 =	ssub.s32 s7, s9;
	s6 =	sadd.s32 s8, s28;
	v5 =	vcombine.low v5, v3;
	v0 =	vsel vm0, $0x41400000, v0;
	vm0 =	vcmask $0x3734  }
0x14: {  	s7 =	sadd.s32 s18, s1;
	s8 =	sadd.s32 s4, s29;
	s16 =	sadd.s32 s17, s29;
	v2 =	vimm.f32 $0.0e+00;
	v0 =	vsel vm0, $0x41500000, v0;
	vm0 =	vcmask $0x3B38  }
0x15: {  	s17 =	sor.u32 $0x10, s18;
	s18 =	simm.s32 $0xA000;
	s6 =	sadd.s32 s0, s6;
	v3 =	vand.u32 $0xF, v4;
	v4 =	vand.u32 $0xF, v8;
	v0 =	vsel vm0, $0x41600000, v0  }
0x16: {  	s9 =	sadd.s32 $0x500, s8;
	s15 =	smax.u32 s15, $0x1;
	v5 =	vand.u32 $0xF, v5;
	vm0 =	vmxor vm0, vm0;
	v1 =	vadd.f32 s19, v0;
	s19 =	simm.s32 $0x2  }
.LBB2_1:
0x17: {  	[tilespmem:s3], [sflag:$0x1] =	stream.linear.gather [hbm4b:s6+s3], $0x5000, $0x38;
	[tilespmem:$0xAA20] =	vst v63  }
0x18: {  	s0 =	simm.s32 $0xA040  }
0x19: {  	[tilespmem:s0+$0xFFFFFFC0] =	vst v2  }
0x1a: {  	[tilespmem:s0+$0x30] =	vst v2  }
0x1b: {  	[tilespmem:s0+$0x20] =	vst v2  }
0x1c: {  	[tilespmem:s0+$0x10] =	vst v2  }
0x1d: {  	[tilespmem:s0+$0x0] =	vst v2  }
0x1e: {  	[tilespmem:s0+$0xFFFFFFF0] =	vst v2  }
0x1f: {  	s4 =	simm.s32 $0x0;
	[tilespmem:s0+$0xFFFFFFE0] =	vst v2  }
.LBB2_2:
0x20: {  	s4 =	sadd.s32 $0x80, s4;
	[tilespmem:s0+$0xFFFFFFD0] =	vst v2;
	s0 =	sadd.s32 $0x80, s0  }
0x21: {  	[tilespmem:s0+$0xFFFFFFC0] =	vst v2;
	p1 =	slt.u32 s4, $0x200  }
0x22: {  	[tilespmem:s0+$0x30] =	vst v2  }
.Ltmp0:
0x23: {  	[tilespmem:s0+$0x20] =	vst v2;
	(pc) =	sbr.rel @p1 .LBB2_2-.Ltmp0, $4  }
0x24: {  	[tilespmem:s0+$0x10] =	vst v2  }
0x25: {  	[tilespmem:s0+$0x0] =	vst v2  }
0x26: {  	[tilespmem:s0+$0xFFFFFFF0] =	vst v2  }
0x27: {  	[tilespmem:s0+$0xFFFFFFE0] =	vst v2  }
0x28: {  	[tilespmem:s0+$0xFFFFFFD0] =	vst v2  }
0x29: {  	[spmem:s7] =	stream.linear.scatter [tilespmem:s18], [sflag:$0x2], $0x280, $0x38;
	[tilespmem:$0xAA20] =	vst v63  }
0x2a: {  	_ =	swait.ge [sflag:s19], $0x280  }
0x2b: {  	[sflag:s19] =	ssyncset.done $0x0  }
0x2c: {  	[sflag:s19] =	ssyncadd.s32 $0xFFFFFD80  }
0x2d: {  	[tilespmem:s18], [sflag:$0x2] =	stream.linear.gather [hbm4b:s8+s3], $0x280, $0x38;
	[tilespmem:$0xAA20] =	vst v63  }
0x2e: {  	_ =	swait.ge [sflag:s19], $0x280  }
0x2f: {  	[sflag:s19] =	ssyncset.done $0x0  }
0x30: {  	s31 =	simm.s32 $0xA280;
	[sflag:s19] =	ssyncadd.s32 $0xFFFFFD80  }
0x31: {  	[tilespmem:s31], [sflag:$0x2] =	stream.linear.gather [hbm4b:s9+s3], $0x280, $0x38;
	[tilespmem:$0xAA20] =	vst v63  }
0x32: {  	_ =	swait.ge [sflag:s19], $0x280  }
0x33: {  	[sflag:s19] =	ssyncset.done $0x0  }
0x34: {  	[sflag:s19] =	ssyncadd.s32 $0xFFFFFD80  }
0x35: {  	v7 =	vld [tilespmem:$0xA000]  }
0x36: {  	s4 =	simm.s32 $0x10;
	v9 =	vld [tilespmem:$0xA280]  }
0x37: {  	v8 =	vld [tilespmem:s4+$0xA000]  }
0x38: {  	v10 =	vld [tilespmem:s4+$0xA280];
	_ =	sdelay $0x2  }
0x39: {  	s0 =	simm.s32 $0x80;
	s4 =	smov.u32 s17;
	v7 =	vadd.f32 v9, v7;
	v9 =	vmov v1  }
.LBB2_4:
0x3a: {  	s28 =	sshra.s32 s0, $0x2;
	s29 =	scvt.s32.f32 s4;
	p1 =	sne.s32 s0, $0x9C0  }
.Ltmp1:
0x3b: {  	s0 =	sadd.s32 $0x40, s0;
	v11 =	vadd.f32 v10, v8;
	v8 =	vld [tilespmem:s28+$0xA000];
	(pc) =	sbr.rel @p1 .LBB2_4-.Ltmp1, $4  }
0x3c: {  	v10 =	vld [tilespmem:s28+$0xA280];
	v12 =	vadd.f32 s29, v0  }
0x3d: {  	vm1 =	vgt.f32 v11, v7  }
0x3e: {  	v7 =	vsel vm1, v11, v7;
	v9 =	vsel vm1, v12, v9  }
0x3f: {  	s4 =	sadd.s32 $0x10, s4  }
0x40: {  	_ = 	snop  }
0x41: {  	s0 =	scvt.s32.f32 s4;
	v8 =	vadd.f32 v10, v8;
	_ =	sdelay $0x1  }
0x42: {  	v10 =	vadd.f32 s0, v0;
	vm1 =	vgt.f32 v8, v7  }
0x43: {  	v7 =	vsel vm1, v8, v7  }
0x44: {  	v8 =	vsel vm1, v10, v9;
	[tilespmem:$0xA500] =	vst v7  }
0x45: {  	[tilespmem:$0xA600] =	vst v8  }
0x46: {  	[spmem:s10] =	stream.linear.scatter [tilespmem:s21], [sflag:$0x2], $0x10, $0x38;
	[tilespmem:$0xAA20] =	vst v63  }
0x47: {  	_ =	swait.ge [sflag:s19], $0x10  }
0x48: {  	[sflag:s19] =	ssyncset.done $0x0  }
0x49: {  	[sflag:s19] =	ssyncadd.s32 $0xFFFFFFF0  }
0x4a: {  	[spmem:s11] =	stream.linear.scatter [tilespmem:s22], [sflag:$0x2], $0x10, $0x38;
	[tilespmem:$0xAA20] =	vst v63  }
0x4b: {  	_ =	swait.ge [sflag:s19], $0x10  }
0x4c: {  	[sflag:s19] =	ssyncset.done $0x0  }
0x4d: {  	[sflag:s19] =	ssyncadd.s32 $0xFFFFFFF0  }
0x4e: {  	[bflag:$0x0] =	sbarrier.arrive $0xFFFF  }
0x4f: {  	s30 =	rddreg [dreg:$0x4]  }
0x50: {  	[tilespmem:s21], [sflag:$0x2] =	stream.linear.gather [spmem:s30], $0x100, $0x38;
	[tilespmem:$0xAA20] =	vst v63  }
0x51: {  	_ =	swait.ge [sflag:s19], $0x100  }
0x52: {  	[sflag:s19] =	ssyncset.done $0x0  }
0x53: {  	[sflag:s19] =	ssyncadd.s32 $0xFFFFFF00  }
0x54: {  	[tilespmem:s22], [sflag:$0x2] =	stream.linear.gather [spmem:s12], $0x100, $0x38;
	[tilespmem:$0xAA20] =	vst v63  }
0x55: {  	_ =	swait.ge [sflag:s19], $0x100  }
0x56: {  	[sflag:s19] =	ssyncset.done $0x0  }
0x57: {  	[sflag:s19] =	ssyncadd.s32 $0xFFFFFF00  }
0x58: {  	v7 =	vld [tilespmem:$0xA500]  }
0x59: {  	s31 =	simm.s32 $0x10;
	v8 =	vld [tilespmem:$0xA600]  }
0x5a: {  	v9 =	vld [tilespmem:s31+$0xA500]  }
0x5b: {  	v10 =	vld [tilespmem:s31+$0xA600];
	_ =	sdelay $0x1  }
0x5c: {  	s0 =	simm.s32 $0x80  }
.LBB2_6:
0x5d: {  	p1 =	sne.s32 s0, $0x3C0  }
.Ltmp2:
0x5e: {  	s4 =	sshra.s32 s0, $0x2;
	v11 =	vmov v9;
	(pc) =	sbr.rel @p1 .LBB2_6-.Ltmp2, $4  }
0x5f: {  	s0 =	sadd.s32 $0x40, s0;
	v9 =	vld [tilespmem:s4+$0xA500];
	vm1 =	veq.f32 v11, v7;
	vm2 =	vlt.f32 v10, v8;
	v12 =	vmov v10  }
0x60: {  	vm3 =	vgt.f32 v11, v7;
	v10 =	vld [tilespmem:s4+$0xA600];
	vm1 =	vmand vm1, vm2  }
0x61: {  	vm1 =	vmor vm3, vm1  }
0x62: {  	v7 =	vsel vm1, v11, v7;
	v8 =	vsel vm1, v12, v8  }
0x63: {  	_ =	sdelay $0x1  }
0x64: {  	vm1 =	veq.f32 v9, v7;
	vm2 =	vlt.f32 v10, v8  }
0x65: {  	vm3 =	vgt.f32 v9, v7;
	vm1 =	vmand vm1, vm2  }
0x66: {  	vm1 =	vmor vm3, vm1  }
0x67: {  	v7 =	vsel vm1, v9, v7  }
0x68: {  	v8 =	vsel vm1, v10, v8;
	[tilespmem:$0xA500] =	vst v7  }
0x69: {  	[tilespmem:$0xA600] =	vst v8  }
0x6a: {  	v9 =	vld.idx.msk [tilespmem:v3+s21+$0x0], $0xffff  }
0x6b: {  	v10 =	vld.idx.msk [tilespmem:v3+s22+$0x0], $0xffff;
	_ =	sdelay $0x4  }
0x6c: {  	vm1 =	veq.f32 v9, v7;
	vm2 =	vlt.f32 v10, v8  }
0x6d: {  	vm3 =	vgt.f32 v9, v7;
	vm1 =	vmand vm1, vm2  }
0x6e: {  	vm1 =	vmor vm3, vm1  }
0x6f: {  	v7 =	vsel vm1, v9, v7  }
0x70: {  	v8 =	vsel vm1, v10, v8;
	[tilespmem:$0xA500] =	vst v7  }
0x71: {  	[tilespmem:$0xA600] =	vst v8  }
0x72: {  	v9 =	vld.idx.msk [tilespmem:v4+s21+$0x0], $0xffff  }
0x73: {  	v10 =	vld.idx.msk [tilespmem:v4+s22+$0x0], $0xffff;
	_ =	sdelay $0x4  }
0x74: {  	vm1 =	veq.f32 v9, v7;
	vm2 =	vlt.f32 v10, v8  }
0x75: {  	vm3 =	vgt.f32 v9, v7;
	vm1 =	vmand vm1, vm2  }
0x76: {  	vm1 =	vmor vm3, vm1  }
0x77: {  	v7 =	vsel vm1, v9, v7  }
0x78: {  	v8 =	vsel vm1, v10, v8;
	[tilespmem:$0xA500] =	vst v7  }
0x79: {  	[tilespmem:$0xA600] =	vst v8  }
0x7a: {  	v9 =	vld.idx.msk [tilespmem:v5+s21+$0x0], $0xffff  }
0x7b: {  	v10 =	vld.idx.msk [tilespmem:v5+s22+$0x0], $0xffff;
	_ =	sdelay $0x4  }
0x7c: {  	vm1 =	veq.f32 v9, v7;
	vm2 =	vlt.f32 v10, v8  }
0x7d: {  	vm3 =	vgt.f32 v9, v7;
	vm1 =	vmand vm1, vm2  }
0x7e: {  	vm1 =	vmor vm3, vm1  }
0x7f: {  	v7 =	vsel vm1, v9, v7  }
0x80: {  	v8 =	vsel vm1, v10, v8;
	[tilespmem:$0xA500] =	vst v7  }
0x81: {  	[tilespmem:$0xA600] =	vst v8  }
0x82: {  	v9 =	vld.idx.msk [tilespmem:v6+s21+$0x0], $0xffff  }
0x83: {  	v10 =	vld.idx.msk [tilespmem:v6+s22+$0x0], $0xffff;
	_ =	sdelay $0x4  }
0x84: {  	vm1 =	veq.f32 v9, v7;
	vm2 =	vlt.f32 v10, v8  }
0x85: {  	vm3 =	vgt.f32 v9, v7;
	vm1 =	vmand vm1, vm2  }
0x86: {  	vm1 =	vmor vm3, vm1  }
0x87: {  	v7 =	vsel vm1, v10, v8  }
0x88: {  	v7 =	vtrunc.f32 v7  }
0x89: {  	v7 =	vcvt.f32.s32 v7;
	_ =	sdelay $0x1  }
0x8a: {  	s0 =	simm.s32 @!p0 $0x0;
	s4 =	simm.s32 @!p0 $0xA700;
	[tilespmem:$0xA700] =	vst @!p0 v7  }
0x8b: {  	[hbm4b:s5+s0] =	stream.linear.scatter @!p0 [tilespmem:s4], [sflag:$0x2], $0x80, $0x38;
	[tilespmem:$0xAA20] =	vst v63  }
0x8c: {  	s0 =	simm.s32 @!p0 $0x2  }
0x8d: {  	_ =	swait.ge @!p0 [sflag:s0], $0x80  }
0x8e: {  	[sflag:s0] =	ssyncset.done @!p0 $0x0  }
0x8f: {  	[sflag:s0] =	ssyncadd.s32 @!p0 $0xFFFFFF80  }
0x90: {  	_ =	swait.ge [sflag:s23], $0x5000  }
0x91: {  	[sflag:s23] =	ssyncset.done $0x0  }
0x92: {  	s20 =	simm.s32 $0x80;
	[sflag:s23] =	ssyncadd.s32 $0xFFFFB000  }
0x93: {  	v8 =	vld [tilespmem:s20+$0xFFFFFFF0]  }
0x94: {  	v9 =	vld [tilespmem:s20+$0xFFFFFF90]  }
0x95: {  	v10 =	vld [tilespmem:s20+$0xFFFFFFA0]  }
0x96: {  	v11 =	vld [tilespmem:s20+$0xFFFFFFB0]  }
0x97: {  	v12 =	vld [tilespmem:s20+$0xFFFFFFC0]  }
0x98: {  	v13 =	vld [tilespmem:s20+$0xFFFFFFD0]  }
0x99: {  	s31 =	simm.s32 $0x5040;
	v14 =	vld [tilespmem:s20+$0xFFFFFFE0]  }
0x9a: {  	v15 =	vld [tilespmem:s20+$0xFFFFFF80];
	[tilespmem:s31+$0x30] =	vst v8  }
0x9b: {  	[tilespmem:s31+$0xFFFFFFD0] =	vst v9;
	v8 =	vld [tilespmem:s20+$0x70]  }
0x9c: {  	vm6 =	vmmov vm0;
	[tilespmem:s31+$0xFFFFFFE0] =	vst v10;
	v16 =	vld [tilespmem:s20+$0x10]  }
0x9d: {  	p1 =	sgt.u32 s13, $0x70;
	vm7 =	vmmov vm0;
	vm4 =	vmmov vm0;
	vm2 =	vmmov vm0;
	[tilespmem:s31+$0xFFFFFFF0] =	vst v11;
	v11 =	vld [tilespmem:s20+$0x20]  }
0x9e: {  	p2 =	sgt.u32 s13, $0x0;
	p3 =	sgt.u32 s13, $0x10;
	vm5 =	vmmov vm0;
	vm2 =	vmneg @p1 vm2;
	p1 =	sgt.u32 s13, $0x20;
	vm1 =	vmmov vm0  }
0x9f: {  	vm6 =	vmneg @p3 vm6;
	vm7 =	vmneg @p1 vm7;
	p1 =	sgt.u32 s13, $0x40;
	vm1 =	vmneg @p2 vm1;
	p2 =	sgt.u32 s13, $0x30;
	[tilespmem:s31+$0x0] =	vst v12;
	v17 =	vld [tilespmem:s20+$0x30]  }
0xa0: {  	vm5 =	vmneg @p1 vm5;
	vm4 =	vmneg @p2 vm4;
	[tilespmem:s31+$0x10] =	vst v13;
	v9 =	vld [tilespmem:s20+$0x40];
	vm3 =	veq.s32 v8, v7  }
0xa1: {  	[tilespmem:s31+$0xFFFFFFC0] =	vst v15;
	v8 =	vld [tilespmem:s20+$0x50];
	vm8 =	veq.s32 v16, v7;
	vm2 =	vmand vm2, vm3;
	vm3 =	vmmov vm0  }
0xa2: {  	p2 =	sgt.u32 s13, $0x50;
	[tilespmem:s31+$0x20] =	vst v14;
	v10 =	vld [tilespmem:s20+$0x0];
	vm6 =	vmand vm6, vm8;
	vm8 =	veq.s32 v11, v7;
	v12 =	vsel vm2, $0x3F800000, v2  }
0xa3: {  	s30 =	simm.s32 $0x7840;
	s28 =	simm.s32 $0x180;
	p1 =	sgt.u32 s13, $0x60;
	v11 =	vld [tilespmem:s20+$0x60];
	vm3 =	vmneg @p2 vm3;
	vm2 =	vmmov vm0;
	v13 =	vsel vm6, $0x3F800000, v2  }
0xa4: {  	s29 =	simm.s32 $0x7840;
	s4 =	simm.s32 $0x100;
	s0 =	simm.s32 $0x80;
	vm6 =	vmand vm7, vm8;
	vm7 =	veq.s32 v17, v7;
	vm2 =	vmneg @p1 vm2;
	[tilespmem:s30+$0x30] =	vst v12;
	v12 =	vld [tilespmem:s28+$0xFFFFFFF0]  }
.LBB2_8:
0xa5: {  	p1 =	slt.u32 s4, $0x2780;
	v14 =	vld [tilespmem:s28+$0xFFFFFF90];
	[tilespmem:s30+$0xFFFFFFD0] =	vst v13;
	v13 =	vsel vm6, $0x3F800000, v2;
	vm4 =	vmand vm4, vm7;
	vm6 =	veq.s32 v9, v7  }
0xa6: {  	v9 =	vld [tilespmem:s28+$0xFFFFFFA0];
	[tilespmem:s30+$0xFFFFFFE0] =	vst v13;
	v13 =	vsel vm4, $0x3F800000, v2;
	vm4 =	vmand vm5, vm6;
	vm5 =	veq.s32 v8, v7  }
0xa7: {  	v8 =	vld [tilespmem:s28+$0xFFFFFFB0];
	vm6 =	veq.s32 v10, v7;
	[tilespmem:s30+$0xFFFFFFF0] =	vst v13;
	v10 =	vsel vm4, $0x3F800000, v2;
	vm3 =	vmand vm3, vm5  }
0xa8: {  	s31 =	sadd.s32 $0x80, s31;
	v13 =	vld [tilespmem:s28+$0xFFFFFFC0];
	vm1 =	vmand vm1, vm6;
	[tilespmem:s30+$0x0] =	vst v10;
	v15 =	vsel vm3, $0x3F800000, v2;
	vm3 =	veq.s32 v11, v7  }
0xa9: {  	v10 =	vld [tilespmem:s28+$0xFFFFFFD0];
	[tilespmem:s31+$0x30] =	vst v12;
	v11 =	vsel vm1, $0x3F800000, v2;
	vm1 =	vmand vm2, vm3  }
0xaa: {  	[tilespmem:s31+$0xFFFFFFD0] =	vst v14;
	v12 =	vld [tilespmem:s28+$0x70];
	v14 =	vsel vm1, $0x3F800000, v2  }
0xab: {  	[tilespmem:s31+$0xFFFFFFE0] =	vst v9;
	v16 =	vld [tilespmem:s28+$0xFFFFFFE0]  }
0xac: {  	v17 =	vld [tilespmem:s28+$0xFFFFFF80];
	[tilespmem:s31+$0xFFFFFFF0] =	vst v8  }
0xad: {  	p2 =	slt.u32 s0, s13;
	s1 =	sadd.s32 $0x10, s0;
	s2 =	sadd.s32 $0x70, s0;
	vm7 =	vmmov vm0;
	vm4 =	vmmov vm0;
	v18 =	vld [tilespmem:s28+$0x10]  }
0xae: {  	s14 =	sadd.s32 $0x20, s0;
	s20 =	sadd.s32 $0x30, s0;
	p4 =	slt.u32 s1, s13;
	vm5 =	vmmov vm0;
	vm6 =	vmmov vm0;
	vm1 =	vmmov vm0;
	[tilespmem:s31+$0x0] =	vst v13  }
0xaf: {  	p3 =	slt.u32 s2, s13;
	s1 =	sadd.s32 $0x40, s0;
	vm3 =	vmmov vm0;
	vm6 =	vmneg @p4 vm6;
	vm1 =	vmneg @p2 vm1;
	p2 =	slt.u32 s14, s13;
	v13 =	vld [tilespmem:s28+$0x20];
	[tilespmem:s31+$0x10] =	vst v10  }
0xb0: {  	s2 =	sadd.s32 $0x50, s0;
	vm3 =	vmneg @p3 vm3;
	p3 =	slt.u32 s20, s13;
	vm7 =	vmneg @p2 vm7;
	p2 =	slt.u32 s1, s13;
	v19 =	vld [tilespmem:s28+$0x30];
	vm2 =	veq.s32 v12, v7;
	[tilespmem:s30+$0xFFFFFFC0] =	vst v11  }
.Ltmp3:
0xb1: {  	s0 =	sadd.s32 $0x60, s0;
	vm4 =	vmneg @p3 vm4;
	vm5 =	vmneg @p2 vm5;
	v9 =	vld [tilespmem:s28+$0x40];
	[tilespmem:s31+$0x20] =	vst v16;
	vm2 =	vmand vm3, vm2;
	(pc) =	sbr.rel @p1 .LBB2_8-.Ltmp3, $4  }
0xb2: {  	p3 =	slt.u32 s2, s13;
	s30 =	sadd.s32 $0x80, s30;
	vm3 =	vmmov vm0;
	[tilespmem:s31+$0xFFFFFFC0] =	vst v17;
	v8 =	vld [tilespmem:s28+$0x50];
	v11 =	vsel vm2, $0x3F800000, v2;
	vm2 =	veq.s32 v18, v7  }
0xb3: {  	p2 =	slt.u32 s0, s13;
	s0 =	smov.u32 s4;
	vm3 =	vmneg @p3 vm3;
	v10 =	vld [tilespmem:s28+$0x0];
	[tilespmem:s30+$0x30] =	vst v11;
	vm6 =	vmand vm6, vm2;
	vm2 =	vmmov vm0  }
0xb4: {  	vm8 =	veq.s32 v13, v7;
	v11 =	vld [tilespmem:s28+$0x60];
	s28 =	sadd.s32 $0x100, s28;
	[tilespmem:s29+$0x10] =	vst v15;
	vm2 =	vmneg @p2 vm2  }
0xb5: {  	s4 =	sadd.s32 $0x80, s4;
	v13 =	vsel vm6, $0x3F800000, v2;
	vm6 =	vmand vm7, vm8;
	vm7 =	veq.s32 v19, v7;
	v12 =	vld [tilespmem:s28+$0xFFFFFFF0];
	[tilespmem:s29+$0x20] =	vst v14;
	s29 =	smov.u32 s30  }
0xb6: {  	v14 =	vld [tilespmem:s28+$0xFFFFFF90]  }
0xb7: {  	v47 =	vld [tilespmem:s28+$0xFFFFFFA0]  }
0xb8: {  	v15 =	vld [tilespmem:s28+$0xFFFFFFB0]  }
0xb9: {  	[tilespmem:s30+$0xFFFFFFD0] =	vst v13;
	v46 =	vsel vm6, $0x3F800000, v2;
	vm4 =	vmand vm4, vm7;
	v16 =	vld [tilespmem:s28+$0xFFFFFFC0]  }
0xba: {  	v50 =	vld [tilespmem:s28+$0xFFFFFFD0];
	[tilespmem:s30+$0xFFFFFFE0] =	vst v46;
	v48 =	vsel vm4, $0x3F800000, v2  }
0xbb: {  	s1 =	sadd.s32 $0x80, s31;
	v51 =	vld [tilespmem:s28+$0xFFFFFF80];
	[tilespmem:s30+$0xFFFFFFF0] =	vst v48  }
0xbc: {  	vm12 =	veq.s32 v8, v7;
	v8 =	vld [tilespmem:s28+$0xFFFFFFE0];
	[tilespmem:s1+$0x30] =	vst v12  }
0xbd: {  	vm10 =	veq.s32 v9, v7;
	vm6 =	vmmov vm0;
	vm8 =	vmmov vm0;
	[tilespmem:s1+$0xFFFFFFD0] =	vst v14;
	v12 =	vld [tilespmem:s28+$0x70]  }
0xbe: {  	s2 =	sadd.s32 $0x10, s0;
	vm11 =	vmand vm5, vm10;
	vm4 =	vmmov vm0;
	vm5 =	vmmov vm0;
	[tilespmem:s1+$0xFFFFFFE0] =	vst v47;
	v52 =	vld [tilespmem:s28+$0x10]  }
0xbf: {  	p3 =	slt.u32 s2, s13;
	v49 =	vsel vm11, $0x3F800000, v2;
	vm13 =	veq.s32 v10, v7;
	vm3 =	vmand vm3, vm12;
	[tilespmem:s1+$0xFFFFFFF0] =	vst v15;
	v55 =	vld [tilespmem:s28+$0x20]  }
0xc0: {  	s4 =	sadd.s32 $0x70, s0;
	vm4 =	vmneg @p3 vm4;
	vm1 =	vmand vm1, vm13;
	vm14 =	veq.s32 v11, v7;
	[tilespmem:s1+$0x0] =	vst v16;
	v57 =	vld [tilespmem:s28+$0x30]  }
0xc1: {  	s20 =	sadd.s32 $0x30, s0;
	p2 =	slt.u32 s4, s13;
	[tilespmem:s30+$0x0] =	vst v49;
	v54 =	vsel vm1, $0x3F800000, v2;
	vm1 =	vmand vm2, vm14;
	vm2 =	vmmov vm0;
	v58 =	vld [tilespmem:s28+$0x40]  }
0xc2: {  	s31 =	sadd.s32 $0x50, s0;
	v53 =	vsel vm3, $0x3F800000, v2;
	[tilespmem:s1+$0x10] =	vst v50;
	v56 =	vsel vm1, $0x3F800000, v2;
	vm2 =	vmneg @p2 vm2;
	p2 =	slt.u32 s20, s13  }
0xc3: {  	p1 =	slt.u32 s0, s13;
	[tilespmem:s29+$0x10] =	vst v53;
	vm1 =	vmmov vm0;
	vm5 =	vmneg @p2 vm5;
	p2 =	slt.u32 s31, s13;
	v59 =	vld [tilespmem:s28+$0x50];
	vm3 =	veq.s32 v12, v7  }
0xc4: {  	[tilespmem:s1+$0xFFFFFFC0] =	vst v51;
	vm1 =	vmneg @p1 vm1;
	vm6 =	vmneg @p2 vm6;
	vm2 =	vmand vm2, vm3  }
0xc5: {  	s14 =	sadd.s32 $0x20, s0;
	[tilespmem:s30+$0xFFFFFFC0] =	vst v54;
	v9 =	vld [tilespmem:s28+$0x0];
	vm3 =	vmmov vm0;
	vm15 =	veq.s32 v52, v7;
	vm12 =	veq.s32 v55, v7  }
0xc6: {  	s20 =	sadd.s32 $0x80, s30;
	p1 =	slt.u32 s14, s13;
	[tilespmem:s1+$0x20] =	vst v8;
	vm13 =	veq.s32 v57, v7;
	vm14 =	veq.s32 v58, v7;
	v8 =	vsel vm2, $0x3F800000, v2  }
0xc7: {  	s4 =	sadd.s32 $0x40, s0;
	vm3 =	vmneg @p1 vm3;
	vm2 =	vmmov vm0;
	vm4 =	vmand vm4, vm15;
	[tilespmem:s20+$0x30] =	vst v8;
	v8 =	vld [tilespmem:s28+$0x60]  }
0xc8: {  	[tilespmem:s29+$0x20] =	vst v56;
	p1 =	slt.u32 s4, s13;
	vm15 =	veq.s32 v59, v7;
	v60 =	vsel vm4, $0x3F800000, v2;
	vm3 =	vmand vm3, vm12  }
0xc9: {  	s14 =	sadd.s32 $0x60, s0;
	vm2 =	vmneg @p1 vm2;
	[tilespmem:s20+$0xFFFFFFD0] =	vst v60;
	v61 =	vsel vm3, $0x3F800000, v2;
	vm3 =	vmand vm5, vm13  }
0xca: {  	p1 =	slt.u32 s14, s13;
	vm2 =	vmand vm2, vm14;
	[tilespmem:s20+$0xFFFFFFE0] =	vst v61;
	v62 =	vsel vm3, $0x3F800000, v2;
	vm3 =	veq.s32 v9, v7  }
0xcb: {  	vm8 =	vmneg @p1 vm8;
	v63 =	vsel vm2, $0x3F800000, v2;
	[tilespmem:s20+$0xFFFFFFF0] =	vst v62;
	vm1 =	vmand vm1, vm3  }
0xcc: {  	vm2 =	vmand vm6, vm15;
	[tilespmem:s20+$0x0] =	vst v63;
	vm3 =	veq.s32 v8, v7;
	v7 =	vsel vm1, $0x3F800000, v2  }
0xcd: {  	v8 =	vsel vm2, $0x3F800000, v2;
	vm1 =	vmand vm8, vm3;
	[tilespmem:s20+$0xFFFFFFC0] =	vst v7  }
0xce: {  	[tilespmem:s20+$0x10] =	vst v8;
	v7 =	vsel vm1, $0x3F800000, v2  }
0xcf: {  	s30 =	rddreg [dreg:$0x3];
	s31 =	simm.s32 $0x2800;
	[tilespmem:s20+$0x20] =	vst v7  }
0xd0: {  	[spmem:s30] =	stream.indirect.scatter.add.f32 [tilespmem:s25], [sflag:$0x2], $0x1, s24, s31, $0xb8;
	[tilespmem:$0xAA20] =	vst v63  }
0xd1: {  	_ =	swait.ge [sflag:s19], $0x2800  }
0xd2: {  	[sflag:s19] =	ssyncset.done $0x0  }
0xd3: {  	[sflag:s19] =	ssyncadd.s32 $0xFFFFD800  }
0xd4: {  	[bflag:$0x0] =	sbarrier.arrive $0xFFFF  }
0xd5: {  	[tilespmem:s18], [sflag:$0x2] =	stream.linear.gather [spmem:s7], $0x280, $0x38;
	[tilespmem:$0xAA20] =	vst v63  }
0xd6: {  	s26 =	sadd.s32 $0x1, s26;
	_ =	swait.ge [sflag:s19], $0x280  }
0xd7: {  	p1 =	sne.s32 s26, s15;
	[sflag:s19] =	ssyncset.done $0x0  }
.Ltmp4:
0xd8: {  	[sflag:s19] =	ssyncadd.s32 $0xFFFFFD80;
	(pc) =	sbr.rel @p1 .LBB2_1-.Ltmp4, $4  }
0xd9: {  	[hbm4b:s16+s3] =	stream.linear.scatter [tilespmem:s18], [sflag:$0x2], $0x280, $0x38;
	[tilespmem:$0xAA20] =	vst v63  }
0xda: {  	_ =	swait.ge [sflag:s19], $0x280  }
0xdb: {  	[sflag:s19] =	ssyncset.done $0x0  }
0xdc: {  	[sflag:s19] =	ssyncadd.s32 $0xFFFFFD80  }
0xdd: {  	_ =	sfence.sel $0x180000  }
0xde: {  	[bflag:$0x0] =	sbarrier.arrive $0xFFFF  }
0xdf: {  	_ =	strace $0x9000004A  }
0xe0: {  	s0 =	stileid.u32;
	[bflag:$0x2] =	sbarrier.arrive $0xFFFF  }
0xe1: {  	p0 =	sne.s32 s0, $0x0;
	s0 =	rddreg [dreg:$0x5]  }
0xe2: {  	s0 =	sadd.s32 @!p0 $0x100000, s0  }
0xe3: {  	[sflag:s0] =	ssyncadd.tile.s32 @!p0 $0x1;
	_ =	shalt  }
.Lfunc_end2:
_tile_overlayer_lowered:
.L_overlay_start_2:
0xe4: {  	(tag) =	ssettag $0x2  }
0xe5: {  	s0 =	rddreg [dreg:$0x0];
	s2 =	stileid.u32  }
0xe6: {  	s1 =	rddreg [dreg:$0x1];
	p0 =	sne.s32 s2, $0x0  }
0xe7: {  	s3 =	rddreg [dreg:$0x2];
	[bflag:$0x3] =	sbarrier.arrive $0xFFFF;
	s2 =	simm.s32 @!p0 $0x1C02  }
0xe8: {  	[timem:s3], [sflag:s2] =	dma.local @!p0 [hbm:s0], s1  }
0xe9: {  	s0 =	simm.s32 @!p0 $0x2  }
0xea: {  	_ =	swait.ge @!p0 [sflag:s0], s1  }
0xeb: {  	s1 =	ssub.s32 @!p0 $0x0, s1;
	[sflag:s0] =	ssyncset.done @!p0 $0x0  }
0xec: {  	[sflag:s0] =	ssyncadd.s32 @!p0 s1  }
0xed: {  	[bflag:$0x3] =	sbarrier.arrive $0xFFFF  }
0xee: {  	_ =	shalt  }

</sc_bundles>
